<compile_context>
chip_gen: v7x
topology: tpu7x:2x2x1
jax: 0.10.2.dev20260603
libtpu: 0.0.44.dev20260713+nightly
codegen_flags: <defaults>
</compile_context>

<pallas_src>
import jax
import jax.numpy as jnp
from jax import lax
from jax.experimental import pallas as pl
from jax.experimental.pallas import tpu as pltpu
from jax.experimental.pallas import tpu_sc as plsc

_NC = 2
_NS = 16
_NW = _NC * _NS
_C = 40
_NBUF = 5
_LAG = 3


def _gather_body(x_hbm, idx_hbm, out_hbm, x_sp, idx_v, rows_v,
                 stage_sem, gsem, ssem):
    bpw = idx_hbm.shape[0] // _NW
    nchunks = bpw // _C
    nfull = nchunks // _NBUF * _NBUF
    sid = lax.axis_index("s")
    wid = sid * _NC + lax.axis_index("c")
    base0 = wid * bpw

    nrows = x_hbm.shape[0]
    rows_per_tile = (nrows // _NS) // 8 * 8
    rem = nrows - rows_per_tile * _NS
    stage = pltpu.make_async_copy(
        x_hbm.at[pl.ds(sid * rows_per_tile, rows_per_tile)],
        x_sp.at[pl.ds(sid * rows_per_tile, rows_per_tile)], stage_sem)
    stage.start()
    pltpu.sync_copy(idx_hbm.at[pl.ds(base0, bpw)], idx_v)

    def gather_hbm(j, b):
        return pltpu.make_async_copy(
            x_hbm.at[idx_v.at[pl.ds(j * _C, _C)]], rows_v.at[b], gsem.at[b])

    def gather(j, b):
        return pltpu.make_async_copy(
            x_sp.at[idx_v.at[pl.ds(j * _C, _C)]], rows_v.at[b], gsem.at[b])

    def store(j, b):
        return pltpu.make_async_copy(
            rows_v.at[b], out_hbm.at[pl.ds(base0 + j * _C, _C)], ssem.at[b])

    for t in range(_NBUF):
        gather_hbm(t, t).start()
        if t >= _LAG:
            gather_hbm(t - _LAG, t - _LAG).wait()
            store(t - _LAG, t - _LAG).start()
    stage.wait()
    if rem:
        @pl.when(sid == 0)
        def _():
            pltpu.sync_copy(x_hbm.at[pl.ds(rows_per_tile * _NS, rem)],
                            x_sp.at[pl.ds(rows_per_tile * _NS, rem)])
    plsc.subcore_barrier()

    def body(g, carry):
        for b in range(_NBUF):
            j = g * _NBUF + b
            store(j - _NBUF, b).wait()
            gather(j, b).start()
            b2 = (b - _LAG) % _NBUF
            gather(j - _LAG, b2).wait()
            store(j - _LAG, b2).start()
        return carry

    lax.fori_loop(1, nfull // _NBUF, body, 0)

    for j in range(nfull - _LAG, nfull):
        gather(j, j % _NBUF).wait()
        store(j, j % _NBUF).start()
    for j in range(nfull - _NBUF, nfull):
        store(j, j % _NBUF).wait()
    for j in range(nfull, nchunks):
        gather(j, 0).start()
        gather(j, 0).wait()
        store(j, 0).start()
        store(j, 0).wait()


def kernel(x, seed_inverse_ids):
    idx = seed_inverse_ids.astype(jnp.int32)
    B = idx.shape[0]
    mesh = plsc.VectorSubcoreMesh(core_axis_name="c", subcore_axis_name="s")
    k = pl.kernel(
        _gather_body,
        mesh=mesh,
        out_type=jax.ShapeDtypeStruct((B, x.shape[1]), x.dtype),
        scratch_types=[
            pltpu.VMEM_SHARED(x.shape, x.dtype),
            pltpu.VMEM((B // _NW,), jnp.int32),
            pltpu.VMEM((_NBUF, _C, x.shape[1]), jnp.float32),
            pltpu.SemaphoreType.DMA,
            pltpu.SemaphoreType.DMA((_NBUF,)),
            pltpu.SemaphoreType.DMA((_NBUF,)),
        ],
    )
    return k(x, idx)

# --- scband reference (transcript-rebuilt; emitter-appended) ---
"""Pipeline reference for scband-cooperative-conv-52475910422625 (READ-ONLY COPY).

The authoritative reference and input builder live on the scoring server;
editing this copy changes nothing except your own understanding.
"""

import jax, jax.numpy as jnp
import numpy as np

# CooperativeConv forward, simulated single-rank (world_size=1):
# all_to_all over one rank is the identity permutation, so the op reduces to
# out = x[seed_inverse_ids]  (duplicate-eliminating gather of unique seed features
# back to the per-rank replicated layout). counts_sent/counts_received only
# describe the split boundaries for the collective and do not change the math.

def setup_inputs(seed: int = 0) -> dict:
    key = jax.random.key(seed)
    k1, k2 = jax.random.split(key)
    N, d = 10000, 128
    M = 320000
    x = jax.random.normal(k1, (N, d), dtype=jnp.float32)
    seed_inverse_ids = jax.random.randint(k2, (M,), 0, N, dtype=jnp.int64)
    return {"x": x, "seed_inverse_ids": seed_inverse_ids}


def reference(x, seed_inverse_ids):
    # tensor[seed_inverse_ids] followed by all_to_all (identity at world_size=1)
    out = jnp.take(x, seed_inverse_ids, axis=0)
    return out

if __name__ == "__main__":
    import jax
    _d = setup_inputs()
    print(jax.jit(kernel)(*tuple(_d.values())))

</pallas_src>

<mosaic_0001>
#map = affine_map<(d0, d1) -> (0, 0)>
#map1 = affine_map<(d0, d1) -> (0)>
module attributes {stable_mosaic.version = 14 : i64} {
  func.func @_gather_body(%arg0: i32, %arg1: i32, %arg2: memref<10000x128xf32, #tpu.memory_space<hbm>>, %arg3: memref<320000xi32, #tpu.memory_space<hbm>>, %arg4: memref<320000x128xf32, #tpu.memory_space<hbm>>, %arg5: memref<10000x128xf32, #tpu.memory_space<vmem_shared>>, %arg6: memref<10000xi32, #tpu.memory_space<vmem>>, %arg7: memref<5x40x128xf32, #tpu.memory_space<vmem>>, %arg8: memref<!tpu.dma_semaphore, #tpu.memory_space<semaphore_mem>>, %arg9: memref<5x!tpu.dma_semaphore, #tpu.memory_space<semaphore_mem>>, %arg10: memref<5x!tpu.dma_semaphore, #tpu.memory_space<semaphore_mem>>) attributes {dimension_semantics = [#tpu.dimension_semantics<core_parallel>, #tpu.dimension_semantics<subcore_parallel>], iteration_bounds = array<i64: 2, 16>, scalar_prefetch = 0 : i64, scratch_operands = 6 : i64, tpu.core_type = #tpu.core_type<sc_vector_subcore>, window_params = [{transform_indices = #map}, {transform_indices = #map1}, {transform_indices = #map}]} {
    %mul3A = arith.constant 2 : i32
    %mul3A_0 = arith.muli %arg1, %mul3A : i32
    %add3A = arith.addi %mul3A_0, %arg0 : i32
    %mul3A_1 = arith.constant 10000 : i32
    %mul3A_2 = arith.muli %add3A, %mul3A_1 : i32
    %mul3A_3 = arith.constant 624 : i32
    %mul3A_4 = arith.muli %arg1, %mul3A_3 : i32
    %mul3A_5 = arith.constant 624 : i32
    %mul3A_6 = arith.muli %arg1, %mul3A_5 : i32
    %dma_start3A = arith.constant 0 : i32
    %dma_start3A_7 = tpu.memref_slice %arg5[%mul3A_6, %dma_start3A] : memref<10000x128xf32, #tpu.memory_space<vmem_shared>> -> memref<624x128xf32, #tpu.memory_space<vmem_shared>>
    %dma_start3A_8 = arith.constant 0 : i32
    %dma_start3A_9 = tpu.memref_slice %arg2[%mul3A_4, %dma_start3A_8] : memref<10000x128xf32, #tpu.memory_space<hbm>> -> memref<624x128xf32, #tpu.memory_space<hbm>>
    tpu.enqueue_dma source(%dma_start3A_9 : memref<624x128xf32, #tpu.memory_space<hbm>>) target(%dma_start3A_7 : memref<624x128xf32, #tpu.memory_space<vmem_shared>>) target_semaphore(%arg8 : memref<!tpu.dma_semaphore, #tpu.memory_space<semaphore_mem>>)
    "tpu.region"() ({
      %run_scoped3A = tpu.sem_alloc : memref<!tpu.dma_semaphore, #tpu.memory_space<semaphore_mem>>
      %dma_start3A_330 = tpu.memref_slice %arg3[%mul3A_2] : memref<320000xi32, #tpu.memory_space<hbm>> -> memref<10000xi32, #tpu.memory_space<hbm>>
      %dma_start3A_331 = tpu.memref_slice %arg3[%mul3A_2] : memref<320000xi32, #tpu.memory_space<hbm>> -> memref<10000xi32, #tpu.memory_space<hbm>>
      tpu.enqueue_dma source(%dma_start3A_331 : memref<10000xi32, #tpu.memory_space<hbm>>) target(%arg6 : memref<10000xi32, #tpu.memory_space<vmem>>) target_semaphore(%run_scoped3A : memref<!tpu.dma_semaphore, #tpu.memory_space<semaphore_mem>>)
      %dma_wait3A_332 = tpu.memref_slice %arg3[%mul3A_2] : memref<320000xi32, #tpu.memory_space<hbm>> -> memref<10000xi32, #tpu.memory_space<hbm>>
      %dma_wait3A_333 = tpu.memref_slice %arg3[%mul3A_2] : memref<320000xi32, #tpu.memory_space<hbm>> -> memref<10000xi32, #tpu.memory_space<hbm>>
      tpu.wait_dma2 semaphore(%run_scoped3A : memref<!tpu.dma_semaphore, #tpu.memory_space<semaphore_mem>>) src(%dma_wait3A_333 : memref<10000xi32, #tpu.memory_space<hbm>>) dst(%arg6 : memref<10000xi32, #tpu.memory_space<vmem>>)
      tpu.yield
    }) : () -> ()
    %dma_start3A_10 = arith.constant 0 : i32
    %dma_start3A_11 = arith.constant 0 : i32
    %dma_start3A_12 = arith.constant 0 : i32
    %dma_start3A_13 = arith.constant 0 : i32
    %dma_start3A_14 = tpu.memref_slice %arg7[%dma_start3A_10, %dma_start3A_12, %dma_start3A_13] : memref<5x40x128xf32, #tpu.memory_space<vmem>> -> memref<1x40x128xf32, #tpu.memory_space<vmem>>
    %dma_start3A_15 = tpu.memref_squeeze %dma_start3A_14 : memref<1x40x128xf32, #tpu.memory_space<vmem>> -> memref<40x128xf32, #tpu.memory_space<vmem>>
    %dma_start3A_16 = arith.constant 0 : i32
    %dma_start3A_17 = tpu.memref_slice %arg6[%dma_start3A_16] : memref<10000xi32, #tpu.memory_space<vmem>> -> memref<40xi32, #tpu.memory_space<vmem>>
    %dma_start3A_18 = arith.constant 0 : i32
    %dma_start3A_19 = arith.constant 0 : i32
    %dma_start3A_20 = tpu.memref_slice %arg2[%dma_start3A_18, %dma_start3A_19] : memref<10000x128xf32, #tpu.memory_space<hbm>> -> memref<10000x128xf32, #tpu.memory_space<hbm>>
    %dma_start3A_21 = tpu.memref_slice %arg9[%dma_start3A_11] : memref<5x!tpu.dma_semaphore, #tpu.memory_space<semaphore_mem>> -> memref<1x!tpu.dma_semaphore, #tpu.memory_space<semaphore_mem>>
    %dma_start3A_22 = tpu.memref_squeeze %dma_start3A_21 : memref<1x!tpu.dma_semaphore, #tpu.memory_space<semaphore_mem>> -> memref<!tpu.dma_semaphore, #tpu.memory_space<semaphore_mem>>
    tpu.enqueue_indirect_dma source(%dma_start3A_20 : memref<10000x128xf32, #tpu.memory_space<hbm>>) target(%dma_start3A_15 : memref<40x128xf32, #tpu.memory_space<vmem>>) offsets(%dma_start3A_17 : memref<40xi32, #tpu.memory_space<vmem>>) semaphore(%dma_start3A_22 : memref<!tpu.dma_semaphore, #tpu.memory_space<semaphore_mem>>)
    %dma_start3A_23 = arith.constant 1 : i32
    %dma_start3A_24 = arith.constant 1 : i32
    %dma_start3A_25 = arith.constant 0 : i32
    %dma_start3A_26 = arith.constant 0 : i32
    %dma_start3A_27 = tpu.memref_slice %arg7[%dma_start3A_23, %dma_start3A_25, %dma_start3A_26] : memref<5x40x128xf32, #tpu.memory_space<vmem>> -> memref<1x40x128xf32, #tpu.memory_space<vmem>>
    %dma_start3A_28 = tpu.memref_squeeze %dma_start3A_27 : memref<1x40x128xf32, #tpu.memory_space<vmem>> -> memref<40x128xf32, #tpu.memory_space<vmem>>
    %dma_start3A_29 = arith.constant 40 : i32
    %dma_start3A_30 = tpu.memref_slice %arg6[%dma_start3A_29] : memref<10000xi32, #tpu.memory_space<vmem>> -> memref<40xi32, #tpu.memory_space<vmem>>
    %dma_start3A_31 = arith.constant 0 : i32
    %dma_start3A_32 = arith.constant 0 : i32
    %dma_start3A_33 = tpu.memref_slice %arg2[%dma_start3A_31, %dma_start3A_32] : memref<10000x128xf32, #tpu.memory_space<hbm>> -> memref<10000x128xf32, #tpu.memory_space<hbm>>
    %dma_start3A_34 = tpu.memref_slice %arg9[%dma_start3A_24] : memref<5x!tpu.dma_semaphore, #tpu.memory_space<semaphore_mem>> -> memref<1x!tpu.dma_semaphore, #tpu.memory_space<semaphore_mem>>
    %dma_start3A_35 = tpu.memref_squeeze %dma_start3A_34 : memref<1x!tpu.dma_semaphore, #tpu.memory_space<semaphore_mem>> -> memref<!tpu.dma_semaphore, #tpu.memory_space<semaphore_mem>>
    tpu.enqueue_indirect_dma source(%dma_start3A_33 : memref<10000x128xf32, #tpu.memory_space<hbm>>) target(%dma_start3A_28 : memref<40x128xf32, #tpu.memory_space<vmem>>) offsets(%dma_start3A_30 : memref<40xi32, #tpu.memory_space<vmem>>) semaphore(%dma_start3A_35 : memref<!tpu.dma_semaphore, #tpu.memory_space<semaphore_mem>>)
    %dma_start3A_36 = arith.constant 2 : i32
    %dma_start3A_37 = arith.constant 2 : i32
    %dma_start3A_38 = arith.constant 0 : i32
    %dma_start3A_39 = arith.constant 0 : i32
    %dma_start3A_40 = tpu.memref_slice %arg7[%dma_start3A_36, %dma_start3A_38, %dma_start3A_39] : memref<5x40x128xf32, #tpu.memory_space<vmem>> -> memref<1x40x128xf32, #tpu.memory_space<vmem>>
    %dma_start3A_41 = tpu.memref_squeeze %dma_start3A_40 : memref<1x40x128xf32, #tpu.memory_space<vmem>> -> memref<40x128xf32, #tpu.memory_space<vmem>>
    %dma_start3A_42 = arith.constant 80 : i32
    %dma_start3A_43 = tpu.memref_slice %arg6[%dma_start3A_42] : memref<10000xi32, #tpu.memory_space<vmem>> -> memref<40xi32, #tpu.memory_space<vmem>>
    %dma_start3A_44 = arith.constant 0 : i32
    %dma_start3A_45 = arith.constant 0 : i32
    %dma_start3A_46 = tpu.memref_slice %arg2[%dma_start3A_44, %dma_start3A_45] : memref<10000x128xf32, #tpu.memory_space<hbm>> -> memref<10000x128xf32, #tpu.memory_space<hbm>>
    %dma_start3A_47 = tpu.memref_slice %arg9[%dma_start3A_37] : memref<5x!tpu.dma_semaphore, #tpu.memory_space<semaphore_mem>> -> memref<1x!tpu.dma_semaphore, #tpu.memory_space<semaphore_mem>>
    %dma_start3A_48 = tpu.memref_squeeze %dma_start3A_47 : memref<1x!tpu.dma_semaphore, #tpu.memory_space<semaphore_mem>> -> memref<!tpu.dma_semaphore, #tpu.memory_space<semaphore_mem>>
    tpu.enqueue_indirect_dma source(%dma_start3A_46 : memref<10000x128xf32, #tpu.memory_space<hbm>>) target(%dma_start3A_41 : memref<40x128xf32, #tpu.memory_space<vmem>>) offsets(%dma_start3A_43 : memref<40xi32, #tpu.memory_space<vmem>>) semaphore(%dma_start3A_48 : memref<!tpu.dma_semaphore, #tpu.memory_space<semaphore_mem>>)
    %dma_start3A_49 = arith.constant 3 : i32
    %dma_start3A_50 = arith.constant 3 : i32
    %dma_start3A_51 = arith.constant 0 : i32
    %dma_start3A_52 = arith.constant 0 : i32
    %dma_start3A_53 = tpu.memref_slice %arg7[%dma_start3A_49, %dma_start3A_51, %dma_start3A_52] : memref<5x40x128xf32, #tpu.memory_space<vmem>> -> memref<1x40x128xf32, #tpu.memory_space<vmem>>
    %dma_start3A_54 = tpu.memref_squeeze %dma_start3A_53 : memref<1x40x128xf32, #tpu.memory_space<vmem>> -> memref<40x128xf32, #tpu.memory_space<vmem>>
    %dma_start3A_55 = arith.constant 120 : i32
    %dma_start3A_56 = tpu.memref_slice %arg6[%dma_start3A_55] : memref<10000xi32, #tpu.memory_space<vmem>> -> memref<40xi32, #tpu.memory_space<vmem>>
    %dma_start3A_57 = arith.constant 0 : i32
    %dma_start3A_58 = arith.constant 0 : i32
    %dma_start3A_59 = tpu.memref_slice %arg2[%dma_start3A_57, %dma_start3A_58] : memref<10000x128xf32, #tpu.memory_space<hbm>> -> memref<10000x128xf32, #tpu.memory_space<hbm>>
    %dma_start3A_60 = tpu.memref_slice %arg9[%dma_start3A_50] : memref<5x!tpu.dma_semaphore, #tpu.memory_space<semaphore_mem>> -> memref<1x!tpu.dma_semaphore, #tpu.memory_space<semaphore_mem>>
    %dma_start3A_61 = tpu.memref_squeeze %dma_start3A_60 : memref<1x!tpu.dma_semaphore, #tpu.memory_space<semaphore_mem>> -> memref<!tpu.dma_semaphore, #tpu.memory_space<semaphore_mem>>
    tpu.enqueue_indirect_dma source(%dma_start3A_59 : memref<10000x128xf32, #tpu.memory_space<hbm>>) target(%dma_start3A_54 : memref<40x128xf32, #tpu.memory_space<vmem>>) offsets(%dma_start3A_56 : memref<40xi32, #tpu.memory_space<vmem>>) semaphore(%dma_start3A_61 : memref<!tpu.dma_semaphore, #tpu.memory_space<semaphore_mem>>)
    %dma_wait3A = arith.constant 0 : i32
    %dma_wait3A_62 = arith.constant 0 : i32
    %dma_wait3A_63 = arith.constant 0 : i32
    %dma_wait3A_64 = arith.constant 0 : i32
    %dma_wait3A_65 = tpu.memref_slice %arg7[%dma_wait3A, %dma_wait3A_63, %dma_wait3A_64] : memref<5x40x128xf32, #tpu.memory_space<vmem>> -> memref<1x40x128xf32, #tpu.memory_space<vmem>>
    %dma_wait3A_66 = tpu.memref_squeeze %dma_wait3A_65 : memref<1x40x128xf32, #tpu.memory_space<vmem>> -> memref<40x128xf32, #tpu.memory_space<vmem>>
    %dma_wait3A_67 = arith.constant 0 : i32
    %dma_wait3A_68 = tpu.memref_slice %arg6[%dma_wait3A_67] : memref<10000xi32, #tpu.memory_space<vmem>> -> memref<40xi32, #tpu.memory_space<vmem>>
    %dma_wait3A_69 = arith.constant 0 : i32
    %dma_wait3A_70 = arith.constant 0 : i32
    %dma_wait3A_71 = tpu.memref_slice %arg2[%dma_wait3A_69, %dma_wait3A_70] : memref<10000x128xf32, #tpu.memory_space<hbm>> -> memref<10000x128xf32, #tpu.memory_space<hbm>>
    %dma_wait3A_72 = tpu.memref_slice %arg9[%dma_wait3A_62] : memref<5x!tpu.dma_semaphore, #tpu.memory_space<semaphore_mem>> -> memref<1x!tpu.dma_semaphore, #tpu.memory_space<semaphore_mem>>
    %dma_wait3A_73 = tpu.memref_squeeze %dma_wait3A_72 : memref<1x!tpu.dma_semaphore, #tpu.memory_space<semaphore_mem>> -> memref<!tpu.dma_semaphore, #tpu.memory_space<semaphore_mem>>
    tpu.wait_indirect_dma semaphore(%dma_wait3A_73 : memref<!tpu.dma_semaphore, #tpu.memory_space<semaphore_mem>>) src(%dma_wait3A_71 : memref<10000x128xf32, #tpu.memory_space<hbm>>) dst(%dma_wait3A_66 : memref<40x128xf32, #tpu.memory_space<vmem>>)
    %add3A_74 = arith.constant 0 : i32
    %add3A_75 = arith.addi %mul3A_2, %add3A_74 : i32
    %dma_start3A_76 = arith.constant 0 : i32
    %dma_start3A_77 = arith.constant 0 : i32
    %dma_start3A_78 = arith.constant 0 : i32
    %dma_start3A_79 = arith.constant 0 : i32
    %dma_start3A_80 = tpu.memref_slice %arg7[%dma_start3A_76, %dma_start3A_78, %dma_start3A_79] : memref<5x40x128xf32, #tpu.memory_space<vmem>> -> memref<1x40x128xf32, #tpu.memory_space<vmem>>
    %dma_start3A_81 = tpu.memref_squeeze %dma_start3A_80 : memref<1x40x128xf32, #tpu.memory_space<vmem>> -> memref<40x128xf32, #tpu.memory_space<vmem>>
    %dma_start3A_82 = arith.constant 0 : i32
    %dma_start3A_83 = tpu.memref_slice %arg4[%add3A_75, %dma_start3A_82] : memref<320000x128xf32, #tpu.memory_space<hbm>> -> memref<40x128xf32, #tpu.memory_space<hbm>>
    %dma_start3A_84 = tpu.memref_slice %arg10[%dma_start3A_77] : memref<5x!tpu.dma_semaphore, #tpu.memory_space<semaphore_mem>> -> memref<1x!tpu.dma_semaphore, #tpu.memory_space<semaphore_mem>>
    %dma_start3A_85 = tpu.memref_squeeze %dma_start3A_84 : memref<1x!tpu.dma_semaphore, #tpu.memory_space<semaphore_mem>> -> memref<!tpu.dma_semaphore, #tpu.memory_space<semaphore_mem>>
    %dma_start3A_86 = arith.constant 0 : i32
    %dma_start3A_87 = tpu.memref_slice %arg4[%add3A_75, %dma_start3A_86] : memref<320000x128xf32, #tpu.memory_space<hbm>> -> memref<40x128xf32, #tpu.memory_space<hbm>>
    %dma_start3A_88 = arith.constant 0 : i32
    %dma_start3A_89 = arith.constant 0 : i32
    %dma_start3A_90 = tpu.memref_slice %arg7[%dma_start3A_76, %dma_start3A_88, %dma_start3A_89] : memref<5x40x128xf32, #tpu.memory_space<vmem>> -> memref<1x40x128xf32, #tpu.memory_space<vmem>>
    %dma_start3A_91 = tpu.memref_squeeze %dma_start3A_90 : memref<1x40x128xf32, #tpu.memory_space<vmem>> -> memref<40x128xf32, #tpu.memory_space<vmem>>
    tpu.enqueue_dma source(%dma_start3A_91 : memref<40x128xf32, #tpu.memory_space<vmem>>) target(%dma_start3A_87 : memref<40x128xf32, #tpu.memory_space<hbm>>) target_semaphore(%dma_start3A_85 : memref<!tpu.dma_semaphore, #tpu.memory_space<semaphore_mem>>)
    %dma_start3A_92 = arith.constant 4 : i32
    %dma_start3A_93 = arith.constant 4 : i32
    %dma_start3A_94 = arith.constant 0 : i32
    %dma_start3A_95 = arith.constant 0 : i32
    %dma_start3A_96 = tpu.memref_slice %arg7[%dma_start3A_92, %dma_start3A_94, %dma_start3A_95] : memref<5x40x128xf32, #tpu.memory_space<vmem>> -> memref<1x40x128xf32, #tpu.memory_space<vmem>>
    %dma_start3A_97 = tpu.memref_squeeze %dma_start3A_96 : memref<1x40x128xf32, #tpu.memory_space<vmem>> -> memref<40x128xf32, #tpu.memory_space<vmem>>
    %dma_start3A_98 = arith.constant 160 : i32
    %dma_start3A_99 = tpu.memref_slice %arg6[%dma_start3A_98] : memref<10000xi32, #tpu.memory_space<vmem>> -> memref<40xi32, #tpu.memory_space<vmem>>
    %dma_start3A_100 = arith.constant 0 : i32
    %dma_start3A_101 = arith.constant 0 : i32
    %dma_start3A_102 = tpu.memref_slice %arg2[%dma_start3A_100, %dma_start3A_101] : memref<10000x128xf32, #tpu.memory_space<hbm>> -> memref<10000x128xf32, #tpu.memory_space<hbm>>
    %dma_start3A_103 = tpu.memref_slice %arg9[%dma_start3A_93] : memref<5x!tpu.dma_semaphore, #tpu.memory_space<semaphore_mem>> -> memref<1x!tpu.dma_semaphore, #tpu.memory_space<semaphore_mem>>
    %dma_start3A_104 = tpu.memref_squeeze %dma_start3A_103 : memref<1x!tpu.dma_semaphore, #tpu.memory_space<semaphore_mem>> -> memref<!tpu.dma_semaphore, #tpu.memory_space<semaphore_mem>>
    tpu.enqueue_indirect_dma source(%dma_start3A_102 : memref<10000x128xf32, #tpu.memory_space<hbm>>) target(%dma_start3A_97 : memref<40x128xf32, #tpu.memory_space<vmem>>) offsets(%dma_start3A_99 : memref<40xi32, #tpu.memory_space<vmem>>) semaphore(%dma_start3A_104 : memref<!tpu.dma_semaphore, #tpu.memory_space<semaphore_mem>>)
    %dma_wait3A_105 = arith.constant 1 : i32
    %dma_wait3A_106 = arith.constant 1 : i32
    %dma_wait3A_107 = arith.constant 0 : i32
    %dma_wait3A_108 = arith.constant 0 : i32
    %dma_wait3A_109 = tpu.memref_slice %arg7[%dma_wait3A_105, %dma_wait3A_107, %dma_wait3A_108] : memref<5x40x128xf32, #tpu.memory_space<vmem>> -> memref<1x40x128xf32, #tpu.memory_space<vmem>>
    %dma_wait3A_110 = tpu.memref_squeeze %dma_wait3A_109 : memref<1x40x128xf32, #tpu.memory_space<vmem>> -> memref<40x128xf32, #tpu.memory_space<vmem>>
    %dma_wait3A_111 = arith.constant 40 : i32
    %dma_wait3A_112 = tpu.memref_slice %arg6[%dma_wait3A_111] : memref<10000xi32, #tpu.memory_space<vmem>> -> memref<40xi32, #tpu.memory_space<vmem>>
    %dma_wait3A_113 = arith.constant 0 : i32
    %dma_wait3A_114 = arith.constant 0 : i32
    %dma_wait3A_115 = tpu.memref_slice %arg2[%dma_wait3A_113, %dma_wait3A_114] : memref<10000x128xf32, #tpu.memory_space<hbm>> -> memref<10000x128xf32, #tpu.memory_space<hbm>>
    %dma_wait3A_116 = tpu.memref_slice %arg9[%dma_wait3A_106] : memref<5x!tpu.dma_semaphore, #tpu.memory_space<semaphore_mem>> -> memref<1x!tpu.dma_semaphore, #tpu.memory_space<semaphore_mem>>
    %dma_wait3A_117 = tpu.memref_squeeze %dma_wait3A_116 : memref<1x!tpu.dma_semaphore, #tpu.memory_space<semaphore_mem>> -> memref<!tpu.dma_semaphore, #tpu.memory_space<semaphore_mem>>
    tpu.wait_indirect_dma semaphore(%dma_wait3A_117 : memref<!tpu.dma_semaphore, #tpu.memory_space<semaphore_mem>>) src(%dma_wait3A_115 : memref<10000x128xf32, #tpu.memory_space<hbm>>) dst(%dma_wait3A_110 : memref<40x128xf32, #tpu.memory_space<vmem>>)
    %add3A_118 = arith.constant 40 : i32
    %add3A_119 = arith.addi %mul3A_2, %add3A_118 : i32
    %dma_start3A_120 = arith.constant 1 : i32
    %dma_start3A_121 = arith.constant 1 : i32
    %dma_start3A_122 = arith.constant 0 : i32
    %dma_start3A_123 = arith.constant 0 : i32
    %dma_start3A_124 = tpu.memref_slice %arg7[%dma_start3A_120, %dma_start3A_122, %dma_start3A_123] : memref<5x40x128xf32, #tpu.memory_space<vmem>> -> memref<1x40x128xf32, #tpu.memory_space<vmem>>
    %dma_start3A_125 = tpu.memref_squeeze %dma_start3A_124 : memref<1x40x128xf32, #tpu.memory_space<vmem>> -> memref<40x128xf32, #tpu.memory_space<vmem>>
    %dma_start3A_126 = arith.constant 0 : i32
    %dma_start3A_127 = tpu.memref_slice %arg4[%add3A_119, %dma_start3A_126] : memref<320000x128xf32, #tpu.memory_space<hbm>> -> memref<40x128xf32, #tpu.memory_space<hbm>>
    %dma_start3A_128 = tpu.memref_slice %arg10[%dma_start3A_121] : memref<5x!tpu.dma_semaphore, #tpu.memory_space<semaphore_mem>> -> memref<1x!tpu.dma_semaphore, #tpu.memory_space<semaphore_mem>>
    %dma_start3A_129 = tpu.memref_squeeze %dma_start3A_128 : memref<1x!tpu.dma_semaphore, #tpu.memory_space<semaphore_mem>> -> memref<!tpu.dma_semaphore, #tpu.memory_space<semaphore_mem>>
    %dma_start3A_130 = arith.constant 0 : i32
    %dma_start3A_131 = tpu.memref_slice %arg4[%add3A_119, %dma_start3A_130] : memref<320000x128xf32, #tpu.memory_space<hbm>> -> memref<40x128xf32, #tpu.memory_space<hbm>>
    %dma_start3A_132 = arith.constant 0 : i32
    %dma_start3A_133 = arith.constant 0 : i32
    %dma_start3A_134 = tpu.memref_slice %arg7[%dma_start3A_120, %dma_start3A_132, %dma_start3A_133] : memref<5x40x128xf32, #tpu.memory_space<vmem>> -> memref<1x40x128xf32, #tpu.memory_space<vmem>>
    %dma_start3A_135 = tpu.memref_squeeze %dma_start3A_134 : memref<1x40x128xf32, #tpu.memory_space<vmem>> -> memref<40x128xf32, #tpu.memory_space<vmem>>
    tpu.enqueue_dma source(%dma_start3A_135 : memref<40x128xf32, #tpu.memory_space<vmem>>) target(%dma_start3A_131 : memref<40x128xf32, #tpu.memory_space<hbm>>) target_semaphore(%dma_start3A_129 : memref<!tpu.dma_semaphore, #tpu.memory_space<semaphore_mem>>)
    %dma_wait3A_136 = arith.constant 0 : i32
    %dma_wait3A_137 = tpu.memref_slice %arg5[%mul3A_6, %dma_wait3A_136] : memref<10000x128xf32, #tpu.memory_space<vmem_shared>> -> memref<624x128xf32, #tpu.memory_space<vmem_shared>>
    %dma_wait3A_138 = arith.constant 0 : i32
    %dma_wait3A_139 = tpu.memref_slice %arg2[%mul3A_4, %dma_wait3A_138] : memref<10000x128xf32, #tpu.memory_space<hbm>> -> memref<624x128xf32, #tpu.memory_space<hbm>>
    tpu.wait_dma2 semaphore(%arg8 : memref<!tpu.dma_semaphore, #tpu.memory_space<semaphore_mem>>) src(%dma_wait3A_139 : memref<624x128xf32, #tpu.memory_space<hbm>>) dst(%dma_wait3A_137 : memref<624x128xf32, #tpu.memory_space<vmem_shared>>)
    %eq3A = arith.constant 0 : i32
    %eq3A_140 = arith.cmpi eq, %arg1, %eq3A : i32
    %convert_element_type3A = arith.extui %eq3A_140 : i1 to i32
    %cond3A = arith.constant 0 : i32
    %cond3A_141 = arith.cmpi ne, %convert_element_type3A, %cond3A : i32
    scf.if %cond3A_141 {
      "tpu.region"() ({
        %run_scoped3A = tpu.sem_alloc : memref<!tpu.dma_semaphore, #tpu.memory_space<semaphore_mem>>
        %dma_start3A_330 = arith.constant 9984 : i32
        %dma_start3A_331 = arith.constant 0 : i32
        %dma_start3A_332 = tpu.memref_slice %arg5[%dma_start3A_330, %dma_start3A_331] : memref<10000x128xf32, #tpu.memory_space<vmem_shared>> -> memref<16x128xf32, #tpu.memory_space<vmem_shared>>
        %dma_start3A_333 = arith.constant 9984 : i32
        %dma_start3A_334 = arith.constant 0 : i32
        %dma_start3A_335 = tpu.memref_slice %arg2[%dma_start3A_333, %dma_start3A_334] : memref<10000x128xf32, #tpu.memory_space<hbm>> -> memref<16x128xf32, #tpu.memory_space<hbm>>
        tpu.enqueue_dma source(%dma_start3A_335 : memref<16x128xf32, #tpu.memory_space<hbm>>) target(%dma_start3A_332 : memref<16x128xf32, #tpu.memory_space<vmem_shared>>) target_semaphore(%run_scoped3A : memref<!tpu.dma_semaphore, #tpu.memory_space<semaphore_mem>>)
        %dma_wait3A_336 = arith.constant 9984 : i32
        %dma_wait3A_337 = arith.constant 0 : i32
        %dma_wait3A_338 = tpu.memref_slice %arg5[%dma_wait3A_336, %dma_wait3A_337] : memref<10000x128xf32, #tpu.memory_space<vmem_shared>> -> memref<16x128xf32, #tpu.memory_space<vmem_shared>>
        %dma_wait3A_339 = arith.constant 9984 : i32
        %dma_wait3A_340 = arith.constant 0 : i32
        %dma_wait3A_341 = tpu.memref_slice %arg2[%dma_wait3A_339, %dma_wait3A_340] : memref<10000x128xf32, #tpu.memory_space<hbm>> -> memref<16x128xf32, #tpu.memory_space<hbm>>
        tpu.wait_dma2 semaphore(%run_scoped3A : memref<!tpu.dma_semaphore, #tpu.memory_space<semaphore_mem>>) src(%dma_wait3A_341 : memref<16x128xf32, #tpu.memory_space<hbm>>) dst(%dma_wait3A_338 : memref<16x128xf32, #tpu.memory_space<vmem_shared>>)
        tpu.yield
      }) : () -> ()
    } else {
    }
    %barrier3A = arith.constant 0 : index
    tpu.barrier barrier_id(%barrier3A)
    %scan3A = arith.constant 0 : i32
    %scan3A_142 = arith.constant 1 : i32
    %scan3A_143 = arith.constant 49 : i32
    %scan3A_144 = arith.addi %scan3A_142, %scan3A_143 : i32
    %scan3A_145 = arith.constant 1 : i32
    scf.for %scan3A_330 = %scan3A_142 to %scan3A_144 step %scan3A_145  : i32 {
      %mul3A_331 = arith.constant 5 : i32
      %mul3A_332 = arith.muli %scan3A_330, %mul3A_331 : i32
      %add3A_333 = arith.constant 0 : i32
      %add3A_334 = arith.addi %mul3A_332, %add3A_333 : i32
      %sub3A = arith.constant 5 : i32
      %sub3A_335 = arith.subi %add3A_334, %sub3A : i32
      %mul3A_336 = arith.constant 40 : i32
      %mul3A_337 = arith.muli %sub3A_335, %mul3A_336 : i32
      %add3A_338 = arith.addi %mul3A_2, %mul3A_337 : i32
      %dma_wait3A_339 = arith.constant 0 : i32
      %dma_wait3A_340 = arith.constant 0 : i32
      %dma_wait3A_341 = arith.constant 0 : i32
      %dma_wait3A_342 = arith.constant 0 : i32
      %dma_wait3A_343 = tpu.memref_slice %arg7[%dma_wait3A_339, %dma_wait3A_341, %dma_wait3A_342] : memref<5x40x128xf32, #tpu.memory_space<vmem>> -> memref<1x40x128xf32, #tpu.memory_space<vmem>>
      %dma_wait3A_344 = tpu.memref_squeeze %dma_wait3A_343 : memref<1x40x128xf32, #tpu.memory_space<vmem>> -> memref<40x128xf32, #tpu.memory_space<vmem>>
      %dma_wait3A_345 = arith.constant 0 : i32
      %dma_wait3A_346 = tpu.memref_slice %arg4[%add3A_338, %dma_wait3A_345] : memref<320000x128xf32, #tpu.memory_space<hbm>> -> memref<40x128xf32, #tpu.memory_space<hbm>>
      %dma_wait3A_347 = tpu.memref_slice %arg10[%dma_wait3A_340] : memref<5x!tpu.dma_semaphore, #tpu.memory_space<semaphore_mem>> -> memref<1x!tpu.dma_semaphore, #tpu.memory_space<semaphore_mem>>
      %dma_wait3A_348 = tpu.memref_squeeze %dma_wait3A_347 : memref<1x!tpu.dma_semaphore, #tpu.memory_space<semaphore_mem>> -> memref<!tpu.dma_semaphore, #tpu.memory_space<semaphore_mem>>
      %dma_wait3A_349 = arith.constant 0 : i32
      %dma_wait3A_350 = tpu.memref_slice %arg4[%add3A_338, %dma_wait3A_349] : memref<320000x128xf32, #tpu.memory_space<hbm>> -> memref<40x128xf32, #tpu.memory_space<hbm>>
      %dma_wait3A_351 = arith.constant 0 : i32
      %dma_wait3A_352 = arith.constant 0 : i32
      %dma_wait3A_353 = tpu.memref_slice %arg7[%dma_wait3A_339, %dma_wait3A_351, %dma_wait3A_352] : memref<5x40x128xf32, #tpu.memory_space<vmem>> -> memref<1x40x128xf32, #tpu.memory_space<vmem>>
      %dma_wait3A_354 = tpu.memref_squeeze %dma_wait3A_353 : memref<1x40x128xf32, #tpu.memory_space<vmem>> -> memref<40x128xf32, #tpu.memory_space<vmem>>
      tpu.wait_dma2 semaphore(%dma_wait3A_348 : memref<!tpu.dma_semaphore, #tpu.memory_space<semaphore_mem>>) src(%dma_wait3A_354 : memref<40x128xf32, #tpu.memory_space<vmem>>) dst(%dma_wait3A_350 : memref<40x128xf32, #tpu.memory_space<hbm>>)
      %mul3A_355 = arith.constant 40 : i32
      %mul3A_356 = arith.muli %add3A_334, %mul3A_355 : i32
      %dma_start3A_357 = arith.constant 0 : i32
      %dma_start3A_358 = arith.constant 0 : i32
      %dma_start3A_359 = arith.constant 0 : i32
      %dma_start3A_360 = arith.constant 0 : i32
      %dma_start3A_361 = tpu.memref_slice %arg7[%dma_start3A_357, %dma_start3A_359, %dma_start3A_360] : memref<5x40x128xf32, #tpu.memory_space<vmem>> -> memref<1x40x128xf32, #tpu.memory_space<vmem>>
      %dma_start3A_362 = tpu.memref_squeeze %dma_start3A_361 : memref<1x40x128xf32, #tpu.memory_space<vmem>> -> memref<40x128xf32, #tpu.memory_space<vmem>>
      %dma_start3A_363 = tpu.memref_slice %arg6[%mul3A_356] : memref<10000xi32, #tpu.memory_space<vmem>> -> memref<40xi32, #tpu.memory_space<vmem>>
      %dma_start3A_364 = arith.constant 0 : i32
      %dma_start3A_365 = arith.constant 0 : i32
      %dma_start3A_366 = tpu.memref_slice %arg5[%dma_start3A_364, %dma_start3A_365] : memref<10000x128xf32, #tpu.memory_space<vmem_shared>> -> memref<10000x128xf32, #tpu.memory_space<vmem_shared>>
      %dma_start3A_367 = tpu.memref_slice %arg9[%dma_start3A_358] : memref<5x!tpu.dma_semaphore, #tpu.memory_space<semaphore_mem>> -> memref<1x!tpu.dma_semaphore, #tpu.memory_space<semaphore_mem>>
      %dma_start3A_368 = tpu.memref_squeeze %dma_start3A_367 : memref<1x!tpu.dma_semaphore, #tpu.memory_space<semaphore_mem>> -> memref<!tpu.dma_semaphore, #tpu.memory_space<semaphore_mem>>
      tpu.enqueue_indirect_dma source(%dma_start3A_366 : memref<10000x128xf32, #tpu.memory_space<vmem_shared>>) target(%dma_start3A_362 : memref<40x128xf32, #tpu.memory_space<vmem>>) offsets(%dma_start3A_363 : memref<40xi32, #tpu.memory_space<vmem>>) semaphore(%dma_start3A_368 : memref<!tpu.dma_semaphore, #tpu.memory_space<semaphore_mem>>)
      %sub3A_369 = arith.constant 3 : i32
      %sub3A_370 = arith.subi %add3A_334, %sub3A_369 : i32
      %mul3A_371 = arith.constant 40 : i32
      %mul3A_372 = arith.muli %sub3A_370, %mul3A_371 : i32
      %dma_wait3A_373 = arith.constant 2 : i32
      %dma_wait3A_374 = arith.constant 2 : i32
      %dma_wait3A_375 = arith.constant 0 : i32
      %dma_wait3A_376 = arith.constant 0 : i32
      %dma_wait3A_377 = tpu.memref_slice %arg7[%dma_wait3A_373, %dma_wait3A_375, %dma_wait3A_376] : memref<5x40x128xf32, #tpu.memory_space<vmem>> -> memref<1x40x128xf32, #tpu.memory_space<vmem>>
      %dma_wait3A_378 = tpu.memref_squeeze %dma_wait3A_377 : memref<1x40x128xf32, #tpu.memory_space<vmem>> -> memref<40x128xf32, #tpu.memory_space<vmem>>
      %dma_wait3A_379 = tpu.memref_slice %arg6[%mul3A_372] : memref<10000xi32, #tpu.memory_space<vmem>> -> memref<40xi32, #tpu.memory_space<vmem>>
      %dma_wait3A_380 = arith.constant 0 : i32
      %dma_wait3A_381 = arith.constant 0 : i32
      %dma_wait3A_382 = tpu.memref_slice %arg5[%dma_wait3A_380, %dma_wait3A_381] : memref<10000x128xf32, #tpu.memory_space<vmem_shared>> -> memref<10000x128xf32, #tpu.memory_space<vmem_shared>>
      %dma_wait3A_383 = tpu.memref_slice %arg9[%dma_wait3A_374] : memref<5x!tpu.dma_semaphore, #tpu.memory_space<semaphore_mem>> -> memref<1x!tpu.dma_semaphore, #tpu.memory_space<semaphore_mem>>
      %dma_wait3A_384 = tpu.memref_squeeze %dma_wait3A_383 : memref<1x!tpu.dma_semaphore, #tpu.memory_space<semaphore_mem>> -> memref<!tpu.dma_semaphore, #tpu.memory_space<semaphore_mem>>
      tpu.wait_indirect_dma semaphore(%dma_wait3A_384 : memref<!tpu.dma_semaphore, #tpu.memory_space<semaphore_mem>>) src(%dma_wait3A_382 : memref<10000x128xf32, #tpu.memory_space<vmem_shared>>) dst(%dma_wait3A_378 : memref<40x128xf32, #tpu.memory_space<vmem>>)
      %sub3A_385 = arith.constant 3 : i32
      %sub3A_386 = arith.subi %add3A_334, %sub3A_385 : i32
      %mul3A_387 = arith.constant 40 : i32
      %mul3A_388 = arith.muli %sub3A_386, %mul3A_387 : i32
      %add3A_389 = arith.addi %mul3A_2, %mul3A_388 : i32
      %dma_start3A_390 = arith.constant 2 : i32
      %dma_start3A_391 = arith.constant 2 : i32
      %dma_start3A_392 = arith.constant 0 : i32
      %dma_start3A_393 = arith.constant 0 : i32
      %dma_start3A_394 = tpu.memref_slice %arg7[%dma_start3A_390, %dma_start3A_392, %dma_start3A_393] : memref<5x40x128xf32, #tpu.memory_space<vmem>> -> memref<1x40x128xf32, #tpu.memory_space<vmem>>
      %dma_start3A_395 = tpu.memref_squeeze %dma_start3A_394 : memref<1x40x128xf32, #tpu.memory_space<vmem>> -> memref<40x128xf32, #tpu.memory_space<vmem>>
      %dma_start3A_396 = arith.constant 0 : i32
      %dma_start3A_397 = tpu.memref_slice %arg4[%add3A_389, %dma_start3A_396] : memref<320000x128xf32, #tpu.memory_space<hbm>> -> memref<40x128xf32, #tpu.memory_space<hbm>>
      %dma_start3A_398 = tpu.memref_slice %arg10[%dma_start3A_391] : memref<5x!tpu.dma_semaphore, #tpu.memory_space<semaphore_mem>> -> memref<1x!tpu.dma_semaphore, #tpu.memory_space<semaphore_mem>>
      %dma_start3A_399 = tpu.memref_squeeze %dma_start3A_398 : memref<1x!tpu.dma_semaphore, #tpu.memory_space<semaphore_mem>> -> memref<!tpu.dma_semaphore, #tpu.memory_space<semaphore_mem>>
      %dma_start3A_400 = arith.constant 0 : i32
      %dma_start3A_401 = tpu.memref_slice %arg4[%add3A_389, %dma_start3A_400] : memref<320000x128xf32, #tpu.memory_space<hbm>> -> memref<40x128xf32, #tpu.memory_space<hbm>>
      %dma_start3A_402 = arith.constant 0 : i32
      %dma_start3A_403 = arith.constant 0 : i32
      %dma_start3A_404 = tpu.memref_slice %arg7[%dma_start3A_390, %dma_start3A_402, %dma_start3A_403] : memref<5x40x128xf32, #tpu.memory_space<vmem>> -> memref<1x40x128xf32, #tpu.memory_space<vmem>>
      %dma_start3A_405 = tpu.memref_squeeze %dma_start3A_404 : memref<1x40x128xf32, #tpu.memory_space<vmem>> -> memref<40x128xf32, #tpu.memory_space<vmem>>
      tpu.enqueue_dma source(%dma_start3A_405 : memref<40x128xf32, #tpu.memory_space<vmem>>) target(%dma_start3A_401 : memref<40x128xf32, #tpu.memory_space<hbm>>) target_semaphore(%dma_start3A_399 : memref<!tpu.dma_semaphore, #tpu.memory_space<semaphore_mem>>)
      %mul3A_406 = arith.constant 5 : i32
      %mul3A_407 = arith.muli %scan3A_330, %mul3A_406 : i32
      %add3A_408 = arith.constant 1 : i32
      %add3A_409 = arith.addi %mul3A_407, %add3A_408 : i32
      %sub3A_410 = arith.constant 5 : i32
      %sub3A_411 = arith.subi %add3A_409, %sub3A_410 : i32
      %mul3A_412 = arith.constant 40 : i32
      %mul3A_413 = arith.muli %sub3A_411, %mul3A_412 : i32
      %add3A_414 = arith.addi %mul3A_2, %mul3A_413 : i32
      %dma_wait3A_415 = arith.constant 1 : i32
      %dma_wait3A_416 = arith.constant 1 : i32
      %dma_wait3A_417 = arith.constant 0 : i32
      %dma_wait3A_418 = arith.constant 0 : i32
      %dma_wait3A_419 = tpu.memref_slice %arg7[%dma_wait3A_415, %dma_wait3A_417, %dma_wait3A_418] : memref<5x40x128xf32, #tpu.memory_space<vmem>> -> memref<1x40x128xf32, #tpu.memory_space<vmem>>
      %dma_wait3A_420 = tpu.memref_squeeze %dma_wait3A_419 : memref<1x40x128xf32, #tpu.memory_space<vmem>> -> memref<40x128xf32, #tpu.memory_space<vmem>>
      %dma_wait3A_421 = arith.constant 0 : i32
      %dma_wait3A_422 = tpu.memref_slice %arg4[%add3A_414, %dma_wait3A_421] : memref<320000x128xf32, #tpu.memory_space<hbm>> -> memref<40x128xf32, #tpu.memory_space<hbm>>
      %dma_wait3A_423 = tpu.memref_slice %arg10[%dma_wait3A_416] : memref<5x!tpu.dma_semaphore, #tpu.memory_space<semaphore_mem>> -> memref<1x!tpu.dma_semaphore, #tpu.memory_space<semaphore_mem>>
      %dma_wait3A_424 = tpu.memref_squeeze %dma_wait3A_423 : memref<1x!tpu.dma_semaphore, #tpu.memory_space<semaphore_mem>> -> memref<!tpu.dma_semaphore, #tpu.memory_space<semaphore_mem>>
      %dma_wait3A_425 = arith.constant 0 : i32
      %dma_wait3A_426 = tpu.memref_slice %arg4[%add3A_414, %dma_wait3A_425] : memref<320000x128xf32, #tpu.memory_space<hbm>> -> memref<40x128xf32, #tpu.memory_space<hbm>>
      %dma_wait3A_427 = arith.constant 0 : i32
      %dma_wait3A_428 = arith.constant 0 : i32
      %dma_wait3A_429 = tpu.memref_slice %arg7[%dma_wait3A_415, %dma_wait3A_427, %dma_wait3A_428] : memref<5x40x128xf32, #tpu.memory_space<vmem>> -> memref<1x40x128xf32, #tpu.memory_space<vmem>>
      %dma_wait3A_430 = tpu.memref_squeeze %dma_wait3A_429 : memref<1x40x128xf32, #tpu.memory_space<vmem>> -> memref<40x128xf32, #tpu.memory_space<vmem>>
      tpu.wait_dma2 semaphore(%dma_wait3A_424 : memref<!tpu.dma_semaphore, #tpu.memory_space<semaphore_mem>>) src(%dma_wait3A_430 : memref<40x128xf32, #tpu.memory_space<vmem>>) dst(%dma_wait3A_426 : memref<40x128xf32, #tpu.memory_space<hbm>>)
      %mul3A_431 = arith.constant 40 : i32
      %mul3A_432 = arith.muli %add3A_409, %mul3A_431 : i32
      %dma_start3A_433 = arith.constant 1 : i32
      %dma_start3A_434 = arith.constant 1 : i32
      %dma_start3A_435 = arith.constant 0 : i32
      %dma_start3A_436 = arith.constant 0 : i32
      %dma_start3A_437 = tpu.memref_slice %arg7[%dma_start3A_433, %dma_start3A_435, %dma_start3A_436] : memref<5x40x128xf32, #tpu.memory_space<vmem>> -> memref<1x40x128xf32, #tpu.memory_space<vmem>>
      %dma_start3A_438 = tpu.memref_squeeze %dma_start3A_437 : memref<1x40x128xf32, #tpu.memory_space<vmem>> -> memref<40x128xf32, #tpu.memory_space<vmem>>
      %dma_start3A_439 = tpu.memref_slice %arg6[%mul3A_432] : memref<10000xi32, #tpu.memory_space<vmem>> -> memref<40xi32, #tpu.memory_space<vmem>>
      %dma_start3A_440 = arith.constant 0 : i32
      %dma_start3A_441 = arith.constant 0 : i32
      %dma_start3A_442 = tpu.memref_slice %arg5[%dma_start3A_440, %dma_start3A_441] : memref<10000x128xf32, #tpu.memory_space<vmem_shared>> -> memref<10000x128xf32, #tpu.memory_space<vmem_shared>>
      %dma_start3A_443 = tpu.memref_slice %arg9[%dma_start3A_434] : memref<5x!tpu.dma_semaphore, #tpu.memory_space<semaphore_mem>> -> memref<1x!tpu.dma_semaphore, #tpu.memory_space<semaphore_mem>>
      %dma_start3A_444 = tpu.memref_squeeze %dma_start3A_443 : memref<1x!tpu.dma_semaphore, #tpu.memory_space<semaphore_mem>> -> memref<!tpu.dma_semaphore, #tpu.memory_space<semaphore_mem>>
      tpu.enqueue_indirect_dma source(%dma_start3A_442 : memref<10000x128xf32, #tpu.memory_space<vmem_shared>>) target(%dma_start3A_438 : memref<40x128xf32, #tpu.memory_space<vmem>>) offsets(%dma_start3A_439 : memref<40xi32, #tpu.memory_space<vmem>>) semaphore(%dma_start3A_444 : memref<!tpu.dma_semaphore, #tpu.memory_space<semaphore_mem>>)
      %sub3A_445 = arith.constant 3 : i32
      %sub3A_446 = arith.subi %add3A_409, %sub3A_445 : i32
      %mul3A_447 = arith.constant 40 : i32
      %mul3A_448 = arith.muli %sub3A_446, %mul3A_447 : i32
      %dma_wait3A_449 = arith.constant 3 : i32
      %dma_wait3A_450 = arith.constant 3 : i32
      %dma_wait3A_451 = arith.constant 0 : i32
      %dma_wait3A_452 = arith.constant 0 : i32
      %dma_wait3A_453 = tpu.memref_slice %arg7[%dma_wait3A_449, %dma_wait3A_451, %dma_wait3A_452] : memref<5x40x128xf32, #tpu.memory_space<vmem>> -> memref<1x40x128xf32, #tpu.memory_space<vmem>>
      %dma_wait3A_454 = tpu.memref_squeeze %dma_wait3A_453 : memref<1x40x128xf32, #tpu.memory_space<vmem>> -> memref<40x128xf32, #tpu.memory_space<vmem>>
      %dma_wait3A_455 = tpu.memref_slice %arg6[%mul3A_448] : memref<10000xi32, #tpu.memory_space<vmem>> -> memref<40xi32, #tpu.memory_space<vmem>>
      %dma_wait3A_456 = arith.constant 0 : i32
      %dma_wait3A_457 = arith.constant 0 : i32
      %dma_wait3A_458 = tpu.memref_slice %arg5[%dma_wait3A_456, %dma_wait3A_457] : memref<10000x128xf32, #tpu.memory_space<vmem_shared>> -> memref<10000x128xf32, #tpu.memory_space<vmem_shared>>
      %dma_wait3A_459 = tpu.memref_slice %arg9[%dma_wait3A_450] : memref<5x!tpu.dma_semaphore, #tpu.memory_space<semaphore_mem>> -> memref<1x!tpu.dma_semaphore, #tpu.memory_space<semaphore_mem>>
      %dma_wait3A_460 = tpu.memref_squeeze %dma_wait3A_459 : memref<1x!tpu.dma_semaphore, #tpu.memory_space<semaphore_mem>> -> memref<!tpu.dma_semaphore, #tpu.memory_space<semaphore_mem>>
      tpu.wait_indirect_dma semaphore(%dma_wait3A_460 : memref<!tpu.dma_semaphore, #tpu.memory_space<semaphore_mem>>) src(%dma_wait3A_458 : memref<10000x128xf32, #tpu.memory_space<vmem_shared>>) dst(%dma_wait3A_454 : memref<40x128xf32, #tpu.memory_space<vmem>>)
      %sub3A_461 = arith.constant 3 : i32
      %sub3A_462 = arith.subi %add3A_409, %sub3A_461 : i32
      %mul3A_463 = arith.constant 40 : i32
      %mul3A_464 = arith.muli %sub3A_462, %mul3A_463 : i32
      %add3A_465 = arith.addi %mul3A_2, %mul3A_464 : i32
      %dma_start3A_466 = arith.constant 3 : i32
      %dma_start3A_467 = arith.constant 3 : i32
      %dma_start3A_468 = arith.constant 0 : i32
      %dma_start3A_469 = arith.constant 0 : i32
      %dma_start3A_470 = tpu.memref_slice %arg7[%dma_start3A_466, %dma_start3A_468, %dma_start3A_469] : memref<5x40x128xf32, #tpu.memory_space<vmem>> -> memref<1x40x128xf32, #tpu.memory_space<vmem>>
      %dma_start3A_471 = tpu.memref_squeeze %dma_start3A_470 : memref<1x40x128xf32, #tpu.memory_space<vmem>> -> memref<40x128xf32, #tpu.memory_space<vmem>>
      %dma_start3A_472 = arith.constant 0 : i32
      %dma_start3A_473 = tpu.memref_slice %arg4[%add3A_465, %dma_start3A_472] : memref<320000x128xf32, #tpu.memory_space<hbm>> -> memref<40x128xf32, #tpu.memory_space<hbm>>
      %dma_start3A_474 = tpu.memref_slice %arg10[%dma_start3A_467] : memref<5x!tpu.dma_semaphore, #tpu.memory_space<semaphore_mem>> -> memref<1x!tpu.dma_semaphore, #tpu.memory_space<semaphore_mem>>
      %dma_start3A_475 = tpu.memref_squeeze %dma_start3A_474 : memref<1x!tpu.dma_semaphore, #tpu.memory_space<semaphore_mem>> -> memref<!tpu.dma_semaphore, #tpu.memory_space<semaphore_mem>>
      %dma_start3A_476 = arith.constant 0 : i32
      %dma_start3A_477 = tpu.memref_slice %arg4[%add3A_465, %dma_start3A_476] : memref<320000x128xf32, #tpu.memory_space<hbm>> -> memref<40x128xf32, #tpu.memory_space<hbm>>
      %dma_start3A_478 = arith.constant 0 : i32
      %dma_start3A_479 = arith.constant 0 : i32
      %dma_start3A_480 = tpu.memref_slice %arg7[%dma_start3A_466, %dma_start3A_478, %dma_start3A_479] : memref<5x40x128xf32, #tpu.memory_space<vmem>> -> memref<1x40x128xf32, #tpu.memory_space<vmem>>
      %dma_start3A_481 = tpu.memref_squeeze %dma_start3A_480 : memref<1x40x128xf32, #tpu.memory_space<vmem>> -> memref<40x128xf32, #tpu.memory_space<vmem>>
      tpu.enqueue_dma source(%dma_start3A_481 : memref<40x128xf32, #tpu.memory_space<vmem>>) target(%dma_start3A_477 : memref<40x128xf32, #tpu.memory_space<hbm>>) target_semaphore(%dma_start3A_475 : memref<!tpu.dma_semaphore, #tpu.memory_space<semaphore_mem>>)
      %mul3A_482 = arith.constant 5 : i32
      %mul3A_483 = arith.muli %scan3A_330, %mul3A_482 : i32
      %add3A_484 = arith.constant 2 : i32
      %add3A_485 = arith.addi %mul3A_483, %add3A_484 : i32
      %sub3A_486 = arith.constant 5 : i32
      %sub3A_487 = arith.subi %add3A_485, %sub3A_486 : i32
      %mul3A_488 = arith.constant 40 : i32
      %mul3A_489 = arith.muli %sub3A_487, %mul3A_488 : i32
      %add3A_490 = arith.addi %mul3A_2, %mul3A_489 : i32
      %dma_wait3A_491 = arith.constant 2 : i32
      %dma_wait3A_492 = arith.constant 2 : i32
      %dma_wait3A_493 = arith.constant 0 : i32
      %dma_wait3A_494 = arith.constant 0 : i32
      %dma_wait3A_495 = tpu.memref_slice %arg7[%dma_wait3A_491, %dma_wait3A_493, %dma_wait3A_494] : memref<5x40x128xf32, #tpu.memory_space<vmem>> -> memref<1x40x128xf32, #tpu.memory_space<vmem>>
      %dma_wait3A_496 = tpu.memref_squeeze %dma_wait3A_495 : memref<1x40x128xf32, #tpu.memory_space<vmem>> -> memref<40x128xf32, #tpu.memory_space<vmem>>
      %dma_wait3A_497 = arith.constant 0 : i32
      %dma_wait3A_498 = tpu.memref_slice %arg4[%add3A_490, %dma_wait3A_497] : memref<320000x128xf32, #tpu.memory_space<hbm>> -> memref<40x128xf32, #tpu.memory_space<hbm>>
      %dma_wait3A_499 = tpu.memref_slice %arg10[%dma_wait3A_492] : memref<5x!tpu.dma_semaphore, #tpu.memory_space<semaphore_mem>> -> memref<1x!tpu.dma_semaphore, #tpu.memory_space<semaphore_mem>>
      %dma_wait3A_500 = tpu.memref_squeeze %dma_wait3A_499 : memref<1x!tpu.dma_semaphore, #tpu.memory_space<semaphore_mem>> -> memref<!tpu.dma_semaphore, #tpu.memory_space<semaphore_mem>>
      %dma_wait3A_501 = arith.constant 0 : i32
      %dma_wait3A_502 = tpu.memref_slice %arg4[%add3A_490, %dma_wait3A_501] : memref<320000x128xf32, #tpu.memory_space<hbm>> -> memref<40x128xf32, #tpu.memory_space<hbm>>
      %dma_wait3A_503 = arith.constant 0 : i32
      %dma_wait3A_504 = arith.constant 0 : i32
      %dma_wait3A_505 = tpu.memref_slice %arg7[%dma_wait3A_491, %dma_wait3A_503, %dma_wait3A_504] : memref<5x40x128xf32, #tpu.memory_space<vmem>> -> memref<1x40x128xf32, #tpu.memory_space<vmem>>
      %dma_wait3A_506 = tpu.memref_squeeze %dma_wait3A_505 : memref<1x40x128xf32, #tpu.memory_space<vmem>> -> memref<40x128xf32, #tpu.memory_space<vmem>>
      tpu.wait_dma2 semaphore(%dma_wait3A_500 : memref<!tpu.dma_semaphore, #tpu.memory_space<semaphore_mem>>) src(%dma_wait3A_506 : memref<40x128xf32, #tpu.memory_space<vmem>>) dst(%dma_wait3A_502 : memref<40x128xf32, #tpu.memory_space<hbm>>)
      %mul3A_507 = arith.constant 40 : i32
      %mul3A_508 = arith.muli %add3A_485, %mul3A_507 : i32
      %dma_start3A_509 = arith.constant 2 : i32
      %dma_start3A_510 = arith.constant 2 : i32
      %dma_start3A_511 = arith.constant 0 : i32
      %dma_start3A_512 = arith.constant 0 : i32
      %dma_start3A_513 = tpu.memref_slice %arg7[%dma_start3A_509, %dma_start3A_511, %dma_start3A_512] : memref<5x40x128xf32, #tpu.memory_space<vmem>> -> memref<1x40x128xf32, #tpu.memory_space<vmem>>
      %dma_start3A_514 = tpu.memref_squeeze %dma_start3A_513 : memref<1x40x128xf32, #tpu.memory_space<vmem>> -> memref<40x128xf32, #tpu.memory_space<vmem>>
      %dma_start3A_515 = tpu.memref_slice %arg6[%mul3A_508] : memref<10000xi32, #tpu.memory_space<vmem>> -> memref<40xi32, #tpu.memory_space<vmem>>
      %dma_start3A_516 = arith.constant 0 : i32
      %dma_start3A_517 = arith.constant 0 : i32
      %dma_start3A_518 = tpu.memref_slice %arg5[%dma_start3A_516, %dma_start3A_517] : memref<10000x128xf32, #tpu.memory_space<vmem_shared>> -> memref<10000x128xf32, #tpu.memory_space<vmem_shared>>
      %dma_start3A_519 = tpu.memref_slice %arg9[%dma_start3A_510] : memref<5x!tpu.dma_semaphore, #tpu.memory_space<semaphore_mem>> -> memref<1x!tpu.dma_semaphore, #tpu.memory_space<semaphore_mem>>
      %dma_start3A_520 = tpu.memref_squeeze %dma_start3A_519 : memref<1x!tpu.dma_semaphore, #tpu.memory_space<semaphore_mem>> -> memref<!tpu.dma_semaphore, #tpu.memory_space<semaphore_mem>>
      tpu.enqueue_indirect_dma source(%dma_start3A_518 : memref<10000x128xf32, #tpu.memory_space<vmem_shared>>) target(%dma_start3A_514 : memref<40x128xf32, #tpu.memory_space<vmem>>) offsets(%dma_start3A_515 : memref<40xi32, #tpu.memory_space<vmem>>) semaphore(%dma_start3A_520 : memref<!tpu.dma_semaphore, #tpu.memory_space<semaphore_mem>>)
      %sub3A_521 = arith.constant 3 : i32
      %sub3A_522 = arith.subi %add3A_485, %sub3A_521 : i32
      %mul3A_523 = arith.constant 40 : i32
      %mul3A_524 = arith.muli %sub3A_522, %mul3A_523 : i32
      %dma_wait3A_525 = arith.constant 4 : i32
      %dma_wait3A_526 = arith.constant 4 : i32
      %dma_wait3A_527 = arith.constant 0 : i32
      %dma_wait3A_528 = arith.constant 0 : i32
      %dma_wait3A_529 = tpu.memref_slice %arg7[%dma_wait3A_525, %dma_wait3A_527, %dma_wait3A_528] : memref<5x40x128xf32, #tpu.memory_space<vmem>> -> memref<1x40x128xf32, #tpu.memory_space<vmem>>
      %dma_wait3A_530 = tpu.memref_squeeze %dma_wait3A_529 : memref<1x40x128xf32, #tpu.memory_space<vmem>> -> memref<40x128xf32, #tpu.memory_space<vmem>>
      %dma_wait3A_531 = tpu.memref_slice %arg6[%mul3A_524] : memref<10000xi32, #tpu.memory_space<vmem>> -> memref<40xi32, #tpu.memory_space<vmem>>
      %dma_wait3A_532 = arith.constant 0 : i32
      %dma_wait3A_533 = arith.constant 0 : i32
      %dma_wait3A_534 = tpu.memref_slice %arg5[%dma_wait3A_532, %dma_wait3A_533] : memref<10000x128xf32, #tpu.memory_space<vmem_shared>> -> memref<10000x128xf32, #tpu.memory_space<vmem_shared>>
      %dma_wait3A_535 = tpu.memref_slice %arg9[%dma_wait3A_526] : memref<5x!tpu.dma_semaphore, #tpu.memory_space<semaphore_mem>> -> memref<1x!tpu.dma_semaphore, #tpu.memory_space<semaphore_mem>>
      %dma_wait3A_536 = tpu.memref_squeeze %dma_wait3A_535 : memref<1x!tpu.dma_semaphore, #tpu.memory_space<semaphore_mem>> -> memref<!tpu.dma_semaphore, #tpu.memory_space<semaphore_mem>>
      tpu.wait_indirect_dma semaphore(%dma_wait3A_536 : memref<!tpu.dma_semaphore, #tpu.memory_space<semaphore_mem>>) src(%dma_wait3A_534 : memref<10000x128xf32, #tpu.memory_space<vmem_shared>>) dst(%dma_wait3A_530 : memref<40x128xf32, #tpu.memory_space<vmem>>)
      %sub3A_537 = arith.constant 3 : i32
      %sub3A_538 = arith.subi %add3A_485, %sub3A_537 : i32
      %mul3A_539 = arith.constant 40 : i32
      %mul3A_540 = arith.muli %sub3A_538, %mul3A_539 : i32
      %add3A_541 = arith.addi %mul3A_2, %mul3A_540 : i32
      %dma_start3A_542 = arith.constant 4 : i32
      %dma_start3A_543 = arith.constant 4 : i32
      %dma_start3A_544 = arith.constant 0 : i32
      %dma_start3A_545 = arith.constant 0 : i32
      %dma_start3A_546 = tpu.memref_slice %arg7[%dma_start3A_542, %dma_start3A_544, %dma_start3A_545] : memref<5x40x128xf32, #tpu.memory_space<vmem>> -> memref<1x40x128xf32, #tpu.memory_space<vmem>>
      %dma_start3A_547 = tpu.memref_squeeze %dma_start3A_546 : memref<1x40x128xf32, #tpu.memory_space<vmem>> -> memref<40x128xf32, #tpu.memory_space<vmem>>
      %dma_start3A_548 = arith.constant 0 : i32
      %dma_start3A_549 = tpu.memref_slice %arg4[%add3A_541, %dma_start3A_548] : memref<320000x128xf32, #tpu.memory_space<hbm>> -> memref<40x128xf32, #tpu.memory_space<hbm>>
      %dma_start3A_550 = tpu.memref_slice %arg10[%dma_start3A_543] : memref<5x!tpu.dma_semaphore, #tpu.memory_space<semaphore_mem>> -> memref<1x!tpu.dma_semaphore, #tpu.memory_space<semaphore_mem>>
      %dma_start3A_551 = tpu.memref_squeeze %dma_start3A_550 : memref<1x!tpu.dma_semaphore, #tpu.memory_space<semaphore_mem>> -> memref<!tpu.dma_semaphore, #tpu.memory_space<semaphore_mem>>
      %dma_start3A_552 = arith.constant 0 : i32
      %dma_start3A_553 = tpu.memref_slice %arg4[%add3A_541, %dma_start3A_552] : memref<320000x128xf32, #tpu.memory_space<hbm>> -> memref<40x128xf32, #tpu.memory_space<hbm>>
      %dma_start3A_554 = arith.constant 0 : i32
      %dma_start3A_555 = arith.constant 0 : i32
      %dma_start3A_556 = tpu.memref_slice %arg7[%dma_start3A_542, %dma_start3A_554, %dma_start3A_555] : memref<5x40x128xf32, #tpu.memory_space<vmem>> -> memref<1x40x128xf32, #tpu.memory_space<vmem>>
      %dma_start3A_557 = tpu.memref_squeeze %dma_start3A_556 : memref<1x40x128xf32, #tpu.memory_space<vmem>> -> memref<40x128xf32, #tpu.memory_space<vmem>>
      tpu.enqueue_dma source(%dma_start3A_557 : memref<40x128xf32, #tpu.memory_space<vmem>>) target(%dma_start3A_553 : memref<40x128xf32, #tpu.memory_space<hbm>>) target_semaphore(%dma_start3A_551 : memref<!tpu.dma_semaphore, #tpu.memory_space<semaphore_mem>>)
      %mul3A_558 = arith.constant 5 : i32
      %mul3A_559 = arith.muli %scan3A_330, %mul3A_558 : i32
      %add3A_560 = arith.constant 3 : i32
      %add3A_561 = arith.addi %mul3A_559, %add3A_560 : i32
      %sub3A_562 = arith.constant 5 : i32
      %sub3A_563 = arith.subi %add3A_561, %sub3A_562 : i32
      %mul3A_564 = arith.constant 40 : i32
      %mul3A_565 = arith.muli %sub3A_563, %mul3A_564 : i32
      %add3A_566 = arith.addi %mul3A_2, %mul3A_565 : i32
      %dma_wait3A_567 = arith.constant 3 : i32
      %dma_wait3A_568 = arith.constant 3 : i32
      %dma_wait3A_569 = arith.constant 0 : i32
      %dma_wait3A_570 = arith.constant 0 : i32
      %dma_wait3A_571 = tpu.memref_slice %arg7[%dma_wait3A_567, %dma_wait3A_569, %dma_wait3A_570] : memref<5x40x128xf32, #tpu.memory_space<vmem>> -> memref<1x40x128xf32, #tpu.memory_space<vmem>>
      %dma_wait3A_572 = tpu.memref_squeeze %dma_wait3A_571 : memref<1x40x128xf32, #tpu.memory_space<vmem>> -> memref<40x128xf32, #tpu.memory_space<vmem>>
      %dma_wait3A_573 = arith.constant 0 : i32
      %dma_wait3A_574 = tpu.memref_slice %arg4[%add3A_566, %dma_wait3A_573] : memref<320000x128xf32, #tpu.memory_space<hbm>> -> memref<40x128xf32, #tpu.memory_space<hbm>>
      %dma_wait3A_575 = tpu.memref_slice %arg10[%dma_wait3A_568] : memref<5x!tpu.dma_semaphore, #tpu.memory_space<semaphore_mem>> -> memref<1x!tpu.dma_semaphore, #tpu.memory_space<semaphore_mem>>
      %dma_wait3A_576 = tpu.memref_squeeze %dma_wait3A_575 : memref<1x!tpu.dma_semaphore, #tpu.memory_space<semaphore_mem>> -> memref<!tpu.dma_semaphore, #tpu.memory_space<semaphore_mem>>
      %dma_wait3A_577 = arith.constant 0 : i32
      %dma_wait3A_578 = tpu.memref_slice %arg4[%add3A_566, %dma_wait3A_577] : memref<320000x128xf32, #tpu.memory_space<hbm>> -> memref<40x128xf32, #tpu.memory_space<hbm>>
      %dma_wait3A_579 = arith.constant 0 : i32
      %dma_wait3A_580 = arith.constant 0 : i32
      %dma_wait3A_581 = tpu.memref_slice %arg7[%dma_wait3A_567, %dma_wait3A_579, %dma_wait3A_580] : memref<5x40x128xf32, #tpu.memory_space<vmem>> -> memref<1x40x128xf32, #tpu.memory_space<vmem>>
      %dma_wait3A_582 = tpu.memref_squeeze %dma_wait3A_581 : memref<1x40x128xf32, #tpu.memory_space<vmem>> -> memref<40x128xf32, #tpu.memory_space<vmem>>
      tpu.wait_dma2 semaphore(%dma_wait3A_576 : memref<!tpu.dma_semaphore, #tpu.memory_space<semaphore_mem>>) src(%dma_wait3A_582 : memref<40x128xf32, #tpu.memory_space<vmem>>) dst(%dma_wait3A_578 : memref<40x128xf32, #tpu.memory_space<hbm>>)
      %mul3A_583 = arith.constant 40 : i32
      %mul3A_584 = arith.muli %add3A_561, %mul3A_583 : i32
      %dma_start3A_585 = arith.constant 3 : i32
      %dma_start3A_586 = arith.constant 3 : i32
      %dma_start3A_587 = arith.constant 0 : i32
      %dma_start3A_588 = arith.constant 0 : i32
      %dma_start3A_589 = tpu.memref_slice %arg7[%dma_start3A_585, %dma_start3A_587, %dma_start3A_588] : memref<5x40x128xf32, #tpu.memory_space<vmem>> -> memref<1x40x128xf32, #tpu.memory_space<vmem>>
      %dma_start3A_590 = tpu.memref_squeeze %dma_start3A_589 : memref<1x40x128xf32, #tpu.memory_space<vmem>> -> memref<40x128xf32, #tpu.memory_space<vmem>>
      %dma_start3A_591 = tpu.memref_slice %arg6[%mul3A_584] : memref<10000xi32, #tpu.memory_space<vmem>> -> memref<40xi32, #tpu.memory_space<vmem>>
      %dma_start3A_592 = arith.constant 0 : i32
      %dma_start3A_593 = arith.constant 0 : i32
      %dma_start3A_594 = tpu.memref_slice %arg5[%dma_start3A_592, %dma_start3A_593] : memref<10000x128xf32, #tpu.memory_space<vmem_shared>> -> memref<10000x128xf32, #tpu.memory_space<vmem_shared>>
      %dma_start3A_595 = tpu.memref_slice %arg9[%dma_start3A_586] : memref<5x!tpu.dma_semaphore, #tpu.memory_space<semaphore_mem>> -> memref<1x!tpu.dma_semaphore, #tpu.memory_space<semaphore_mem>>
      %dma_start3A_596 = tpu.memref_squeeze %dma_start3A_595 : memref<1x!tpu.dma_semaphore, #tpu.memory_space<semaphore_mem>> -> memref<!tpu.dma_semaphore, #tpu.memory_space<semaphore_mem>>
      tpu.enqueue_indirect_dma source(%dma_start3A_594 : memref<10000x128xf32, #tpu.memory_space<vmem_shared>>) target(%dma_start3A_590 : memref<40x128xf32, #tpu.memory_space<vmem>>) offsets(%dma_start3A_591 : memref<40xi32, #tpu.memory_space<vmem>>) semaphore(%dma_start3A_596 : memref<!tpu.dma_semaphore, #tpu.memory_space<semaphore_mem>>)
      %sub3A_597 = arith.constant 3 : i32
      %sub3A_598 = arith.subi %add3A_561, %sub3A_597 : i32
      %mul3A_599 = arith.constant 40 : i32
      %mul3A_600 = arith.muli %sub3A_598, %mul3A_599 : i32
      %dma_wait3A_601 = arith.constant 0 : i32
      %dma_wait3A_602 = arith.constant 0 : i32
      %dma_wait3A_603 = arith.constant 0 : i32
      %dma_wait3A_604 = arith.constant 0 : i32
      %dma_wait3A_605 = tpu.memref_slice %arg7[%dma_wait3A_601, %dma_wait3A_603, %dma_wait3A_604] : memref<5x40x128xf32, #tpu.memory_space<vmem>> -> memref<1x40x128xf32, #tpu.memory_space<vmem>>
      %dma_wait3A_606 = tpu.memref_squeeze %dma_wait3A_605 : memref<1x40x128xf32, #tpu.memory_space<vmem>> -> memref<40x128xf32, #tpu.memory_space<vmem>>
      %dma_wait3A_607 = tpu.memref_slice %arg6[%mul3A_600] : memref<10000xi32, #tpu.memory_space<vmem>> -> memref<40xi32, #tpu.memory_space<vmem>>
      %dma_wait3A_608 = arith.constant 0 : i32
      %dma_wait3A_609 = arith.constant 0 : i32
      %dma_wait3A_610 = tpu.memref_slice %arg5[%dma_wait3A_608, %dma_wait3A_609] : memref<10000x128xf32, #tpu.memory_space<vmem_shared>> -> memref<10000x128xf32, #tpu.memory_space<vmem_shared>>
      %dma_wait3A_611 = tpu.memref_slice %arg9[%dma_wait3A_602] : memref<5x!tpu.dma_semaphore, #tpu.memory_space<semaphore_mem>> -> memref<1x!tpu.dma_semaphore, #tpu.memory_space<semaphore_mem>>
      %dma_wait3A_612 = tpu.memref_squeeze %dma_wait3A_611 : memref<1x!tpu.dma_semaphore, #tpu.memory_space<semaphore_mem>> -> memref<!tpu.dma_semaphore, #tpu.memory_space<semaphore_mem>>
      tpu.wait_indirect_dma semaphore(%dma_wait3A_612 : memref<!tpu.dma_semaphore, #tpu.memory_space<semaphore_mem>>) src(%dma_wait3A_610 : memref<10000x128xf32, #tpu.memory_space<vmem_shared>>) dst(%dma_wait3A_606 : memref<40x128xf32, #tpu.memory_space<vmem>>)
      %sub3A_613 = arith.constant 3 : i32
      %sub3A_614 = arith.subi %add3A_561, %sub3A_613 : i32
      %mul3A_615 = arith.constant 40 : i32
      %mul3A_616 = arith.muli %sub3A_614, %mul3A_615 : i32
      %add3A_617 = arith.addi %mul3A_2, %mul3A_616 : i32
      %dma_start3A_618 = arith.constant 0 : i32
      %dma_start3A_619 = arith.constant 0 : i32
      %dma_start3A_620 = arith.constant 0 : i32
      %dma_start3A_621 = arith.constant 0 : i32
      %dma_start3A_622 = tpu.memref_slice %arg7[%dma_start3A_618, %dma_start3A_620, %dma_start3A_621] : memref<5x40x128xf32, #tpu.memory_space<vmem>> -> memref<1x40x128xf32, #tpu.memory_space<vmem>>
      %dma_start3A_623 = tpu.memref_squeeze %dma_start3A_622 : memref<1x40x128xf32, #tpu.memory_space<vmem>> -> memref<40x128xf32, #tpu.memory_space<vmem>>
      %dma_start3A_624 = arith.constant 0 : i32
      %dma_start3A_625 = tpu.memref_slice %arg4[%add3A_617, %dma_start3A_624] : memref<320000x128xf32, #tpu.memory_space<hbm>> -> memref<40x128xf32, #tpu.memory_space<hbm>>
      %dma_start3A_626 = tpu.memref_slice %arg10[%dma_start3A_619] : memref<5x!tpu.dma_semaphore, #tpu.memory_space<semaphore_mem>> -> memref<1x!tpu.dma_semaphore, #tpu.memory_space<semaphore_mem>>
      %dma_start3A_627 = tpu.memref_squeeze %dma_start3A_626 : memref<1x!tpu.dma_semaphore, #tpu.memory_space<semaphore_mem>> -> memref<!tpu.dma_semaphore, #tpu.memory_space<semaphore_mem>>
      %dma_start3A_628 = arith.constant 0 : i32
      %dma_start3A_629 = tpu.memref_slice %arg4[%add3A_617, %dma_start3A_628] : memref<320000x128xf32, #tpu.memory_space<hbm>> -> memref<40x128xf32, #tpu.memory_space<hbm>>
      %dma_start3A_630 = arith.constant 0 : i32
      %dma_start3A_631 = arith.constant 0 : i32
      %dma_start3A_632 = tpu.memref_slice %arg7[%dma_start3A_618, %dma_start3A_630, %dma_start3A_631] : memref<5x40x128xf32, #tpu.memory_space<vmem>> -> memref<1x40x128xf32, #tpu.memory_space<vmem>>
      %dma_start3A_633 = tpu.memref_squeeze %dma_start3A_632 : memref<1x40x128xf32, #tpu.memory_space<vmem>> -> memref<40x128xf32, #tpu.memory_space<vmem>>
      tpu.enqueue_dma source(%dma_start3A_633 : memref<40x128xf32, #tpu.memory_space<vmem>>) target(%dma_start3A_629 : memref<40x128xf32, #tpu.memory_space<hbm>>) target_semaphore(%dma_start3A_627 : memref<!tpu.dma_semaphore, #tpu.memory_space<semaphore_mem>>)
      %mul3A_634 = arith.constant 5 : i32
      %mul3A_635 = arith.muli %scan3A_330, %mul3A_634 : i32
      %add3A_636 = arith.constant 4 : i32
      %add3A_637 = arith.addi %mul3A_635, %add3A_636 : i32
      %sub3A_638 = arith.constant 5 : i32
      %sub3A_639 = arith.subi %add3A_637, %sub3A_638 : i32
      %mul3A_640 = arith.constant 40 : i32
      %mul3A_641 = arith.muli %sub3A_639, %mul3A_640 : i32
      %add3A_642 = arith.addi %mul3A_2, %mul3A_641 : i32
      %dma_wait3A_643 = arith.constant 4 : i32
      %dma_wait3A_644 = arith.constant 4 : i32
      %dma_wait3A_645 = arith.constant 0 : i32
      %dma_wait3A_646 = arith.constant 0 : i32
      %dma_wait3A_647 = tpu.memref_slice %arg7[%dma_wait3A_643, %dma_wait3A_645, %dma_wait3A_646] : memref<5x40x128xf32, #tpu.memory_space<vmem>> -> memref<1x40x128xf32, #tpu.memory_space<vmem>>
      %dma_wait3A_648 = tpu.memref_squeeze %dma_wait3A_647 : memref<1x40x128xf32, #tpu.memory_space<vmem>> -> memref<40x128xf32, #tpu.memory_space<vmem>>
      %dma_wait3A_649 = arith.constant 0 : i32
      %dma_wait3A_650 = tpu.memref_slice %arg4[%add3A_642, %dma_wait3A_649] : memref<320000x128xf32, #tpu.memory_space<hbm>> -> memref<40x128xf32, #tpu.memory_space<hbm>>
      %dma_wait3A_651 = tpu.memref_slice %arg10[%dma_wait3A_644] : memref<5x!tpu.dma_semaphore, #tpu.memory_space<semaphore_mem>> -> memref<1x!tpu.dma_semaphore, #tpu.memory_space<semaphore_mem>>
      %dma_wait3A_652 = tpu.memref_squeeze %dma_wait3A_651 : memref<1x!tpu.dma_semaphore, #tpu.memory_space<semaphore_mem>> -> memref<!tpu.dma_semaphore, #tpu.memory_space<semaphore_mem>>
      %dma_wait3A_653 = arith.constant 0 : i32
      %dma_wait3A_654 = tpu.memref_slice %arg4[%add3A_642, %dma_wait3A_653] : memref<320000x128xf32, #tpu.memory_space<hbm>> -> memref<40x128xf32, #tpu.memory_space<hbm>>
      %dma_wait3A_655 = arith.constant 0 : i32
      %dma_wait3A_656 = arith.constant 0 : i32
      %dma_wait3A_657 = tpu.memref_slice %arg7[%dma_wait3A_643, %dma_wait3A_655, %dma_wait3A_656] : memref<5x40x128xf32, #tpu.memory_space<vmem>> -> memref<1x40x128xf32, #tpu.memory_space<vmem>>
      %dma_wait3A_658 = tpu.memref_squeeze %dma_wait3A_657 : memref<1x40x128xf32, #tpu.memory_space<vmem>> -> memref<40x128xf32, #tpu.memory_space<vmem>>
      tpu.wait_dma2 semaphore(%dma_wait3A_652 : memref<!tpu.dma_semaphore, #tpu.memory_space<semaphore_mem>>) src(%dma_wait3A_658 : memref<40x128xf32, #tpu.memory_space<vmem>>) dst(%dma_wait3A_654 : memref<40x128xf32, #tpu.memory_space<hbm>>)
      %mul3A_659 = arith.constant 40 : i32
      %mul3A_660 = arith.muli %add3A_637, %mul3A_659 : i32
      %dma_start3A_661 = arith.constant 4 : i32
      %dma_start3A_662 = arith.constant 4 : i32
      %dma_start3A_663 = arith.constant 0 : i32
      %dma_start3A_664 = arith.constant 0 : i32
      %dma_start3A_665 = tpu.memref_slice %arg7[%dma_start3A_661, %dma_start3A_663, %dma_start3A_664] : memref<5x40x128xf32, #tpu.memory_space<vmem>> -> memref<1x40x128xf32, #tpu.memory_space<vmem>>
      %dma_start3A_666 = tpu.memref_squeeze %dma_start3A_665 : memref<1x40x128xf32, #tpu.memory_space<vmem>> -> memref<40x128xf32, #tpu.memory_space<vmem>>
      %dma_start3A_667 = tpu.memref_slice %arg6[%mul3A_660] : memref<10000xi32, #tpu.memory_space<vmem>> -> memref<40xi32, #tpu.memory_space<vmem>>
      %dma_start3A_668 = arith.constant 0 : i32
      %dma_start3A_669 = arith.constant 0 : i32
      %dma_start3A_670 = tpu.memref_slice %arg5[%dma_start3A_668, %dma_start3A_669] : memref<10000x128xf32, #tpu.memory_space<vmem_shared>> -> memref<10000x128xf32, #tpu.memory_space<vmem_shared>>
      %dma_start3A_671 = tpu.memref_slice %arg9[%dma_start3A_662] : memref<5x!tpu.dma_semaphore, #tpu.memory_space<semaphore_mem>> -> memref<1x!tpu.dma_semaphore, #tpu.memory_space<semaphore_mem>>
      %dma_start3A_672 = tpu.memref_squeeze %dma_start3A_671 : memref<1x!tpu.dma_semaphore, #tpu.memory_space<semaphore_mem>> -> memref<!tpu.dma_semaphore, #tpu.memory_space<semaphore_mem>>
      tpu.enqueue_indirect_dma source(%dma_start3A_670 : memref<10000x128xf32, #tpu.memory_space<vmem_shared>>) target(%dma_start3A_666 : memref<40x128xf32, #tpu.memory_space<vmem>>) offsets(%dma_start3A_667 : memref<40xi32, #tpu.memory_space<vmem>>) semaphore(%dma_start3A_672 : memref<!tpu.dma_semaphore, #tpu.memory_space<semaphore_mem>>)
      %sub3A_673 = arith.constant 3 : i32
      %sub3A_674 = arith.subi %add3A_637, %sub3A_673 : i32
      %mul3A_675 = arith.constant 40 : i32
      %mul3A_676 = arith.muli %sub3A_674, %mul3A_675 : i32
      %dma_wait3A_677 = arith.constant 1 : i32
      %dma_wait3A_678 = arith.constant 1 : i32
      %dma_wait3A_679 = arith.constant 0 : i32
      %dma_wait3A_680 = arith.constant 0 : i32
      %dma_wait3A_681 = tpu.memref_slice %arg7[%dma_wait3A_677, %dma_wait3A_679, %dma_wait3A_680] : memref<5x40x128xf32, #tpu.memory_space<vmem>> -> memref<1x40x128xf32, #tpu.memory_space<vmem>>
      %dma_wait3A_682 = tpu.memref_squeeze %dma_wait3A_681 : memref<1x40x128xf32, #tpu.memory_space<vmem>> -> memref<40x128xf32, #tpu.memory_space<vmem>>
      %dma_wait3A_683 = tpu.memref_slice %arg6[%mul3A_676] : memref<10000xi32, #tpu.memory_space<vmem>> -> memref<40xi32, #tpu.memory_space<vmem>>
      %dma_wait3A_684 = arith.constant 0 : i32
      %dma_wait3A_685 = arith.constant 0 : i32
      %dma_wait3A_686 = tpu.memref_slice %arg5[%dma_wait3A_684, %dma_wait3A_685] : memref<10000x128xf32, #tpu.memory_space<vmem_shared>> -> memref<10000x128xf32, #tpu.memory_space<vmem_shared>>
      %dma_wait3A_687 = tpu.memref_slice %arg9[%dma_wait3A_678] : memref<5x!tpu.dma_semaphore, #tpu.memory_space<semaphore_mem>> -> memref<1x!tpu.dma_semaphore, #tpu.memory_space<semaphore_mem>>
      %dma_wait3A_688 = tpu.memref_squeeze %dma_wait3A_687 : memref<1x!tpu.dma_semaphore, #tpu.memory_space<semaphore_mem>> -> memref<!tpu.dma_semaphore, #tpu.memory_space<semaphore_mem>>
      tpu.wait_indirect_dma semaphore(%dma_wait3A_688 : memref<!tpu.dma_semaphore, #tpu.memory_space<semaphore_mem>>) src(%dma_wait3A_686 : memref<10000x128xf32, #tpu.memory_space<vmem_shared>>) dst(%dma_wait3A_682 : memref<40x128xf32, #tpu.memory_space<vmem>>)
      %sub3A_689 = arith.constant 3 : i32
      %sub3A_690 = arith.subi %add3A_637, %sub3A_689 : i32
      %mul3A_691 = arith.constant 40 : i32
      %mul3A_692 = arith.muli %sub3A_690, %mul3A_691 : i32
      %add3A_693 = arith.addi %mul3A_2, %mul3A_692 : i32
      %dma_start3A_694 = arith.constant 1 : i32
      %dma_start3A_695 = arith.constant 1 : i32
      %dma_start3A_696 = arith.constant 0 : i32
      %dma_start3A_697 = arith.constant 0 : i32
      %dma_start3A_698 = tpu.memref_slice %arg7[%dma_start3A_694, %dma_start3A_696, %dma_start3A_697] : memref<5x40x128xf32, #tpu.memory_space<vmem>> -> memref<1x40x128xf32, #tpu.memory_space<vmem>>
      %dma_start3A_699 = tpu.memref_squeeze %dma_start3A_698 : memref<1x40x128xf32, #tpu.memory_space<vmem>> -> memref<40x128xf32, #tpu.memory_space<vmem>>
      %dma_start3A_700 = arith.constant 0 : i32
      %dma_start3A_701 = tpu.memref_slice %arg4[%add3A_693, %dma_start3A_700] : memref<320000x128xf32, #tpu.memory_space<hbm>> -> memref<40x128xf32, #tpu.memory_space<hbm>>
      %dma_start3A_702 = tpu.memref_slice %arg10[%dma_start3A_695] : memref<5x!tpu.dma_semaphore, #tpu.memory_space<semaphore_mem>> -> memref<1x!tpu.dma_semaphore, #tpu.memory_space<semaphore_mem>>
      %dma_start3A_703 = tpu.memref_squeeze %dma_start3A_702 : memref<1x!tpu.dma_semaphore, #tpu.memory_space<semaphore_mem>> -> memref<!tpu.dma_semaphore, #tpu.memory_space<semaphore_mem>>
      %dma_start3A_704 = arith.constant 0 : i32
      %dma_start3A_705 = tpu.memref_slice %arg4[%add3A_693, %dma_start3A_704] : memref<320000x128xf32, #tpu.memory_space<hbm>> -> memref<40x128xf32, #tpu.memory_space<hbm>>
      %dma_start3A_706 = arith.constant 0 : i32
      %dma_start3A_707 = arith.constant 0 : i32
      %dma_start3A_708 = tpu.memref_slice %arg7[%dma_start3A_694, %dma_start3A_706, %dma_start3A_707] : memref<5x40x128xf32, #tpu.memory_space<vmem>> -> memref<1x40x128xf32, #tpu.memory_space<vmem>>
      %dma_start3A_709 = tpu.memref_squeeze %dma_start3A_708 : memref<1x40x128xf32, #tpu.memory_space<vmem>> -> memref<40x128xf32, #tpu.memory_space<vmem>>
      tpu.enqueue_dma source(%dma_start3A_709 : memref<40x128xf32, #tpu.memory_space<vmem>>) target(%dma_start3A_705 : memref<40x128xf32, #tpu.memory_space<hbm>>) target_semaphore(%dma_start3A_703 : memref<!tpu.dma_semaphore, #tpu.memory_space<semaphore_mem>>)
    }
    %scan3A_146 = arith.constant 49 : i32
    %dma_wait3A_147 = arith.constant 2 : i32
    %dma_wait3A_148 = arith.constant 2 : i32
    %dma_wait3A_149 = arith.constant 0 : i32
    %dma_wait3A_150 = arith.constant 0 : i32
    %dma_wait3A_151 = tpu.memref_slice %arg7[%dma_wait3A_147, %dma_wait3A_149, %dma_wait3A_150] : memref<5x40x128xf32, #tpu.memory_space<vmem>> -> memref<1x40x128xf32, #tpu.memory_space<vmem>>
    %dma_wait3A_152 = tpu.memref_squeeze %dma_wait3A_151 : memref<1x40x128xf32, #tpu.memory_space<vmem>> -> memref<40x128xf32, #tpu.memory_space<vmem>>
    %dma_wait3A_153 = arith.constant 9880 : i32
    %dma_wait3A_154 = tpu.memref_slice %arg6[%dma_wait3A_153] : memref<10000xi32, #tpu.memory_space<vmem>> -> memref<40xi32, #tpu.memory_space<vmem>>
    %dma_wait3A_155 = arith.constant 0 : i32
    %dma_wait3A_156 = arith.constant 0 : i32
    %dma_wait3A_157 = tpu.memref_slice %arg5[%dma_wait3A_155, %dma_wait3A_156] : memref<10000x128xf32, #tpu.memory_space<vmem_shared>> -> memref<10000x128xf32, #tpu.memory_space<vmem_shared>>
    %dma_wait3A_158 = tpu.memref_slice %arg9[%dma_wait3A_148] : memref<5x!tpu.dma_semaphore, #tpu.memory_space<semaphore_mem>> -> memref<1x!tpu.dma_semaphore, #tpu.memory_space<semaphore_mem>>
    %dma_wait3A_159 = tpu.memref_squeeze %dma_wait3A_158 : memref<1x!tpu.dma_semaphore, #tpu.memory_space<semaphore_mem>> -> memref<!tpu.dma_semaphore, #tpu.memory_space<semaphore_mem>>
    tpu.wait_indirect_dma semaphore(%dma_wait3A_159 : memref<!tpu.dma_semaphore, #tpu.memory_space<semaphore_mem>>) src(%dma_wait3A_157 : memref<10000x128xf32, #tpu.memory_space<vmem_shared>>) dst(%dma_wait3A_152 : memref<40x128xf32, #tpu.memory_space<vmem>>)
    %add3A_160 = arith.constant 9880 : i32
    %add3A_161 = arith.addi %mul3A_2, %add3A_160 : i32
    %dma_start3A_162 = arith.constant 2 : i32
    %dma_start3A_163 = arith.constant 2 : i32
    %dma_start3A_164 = arith.constant 0 : i32
    %dma_start3A_165 = arith.constant 0 : i32
    %dma_start3A_166 = tpu.memref_slice %arg7[%dma_start3A_162, %dma_start3A_164, %dma_start3A_165] : memref<5x40x128xf32, #tpu.memory_space<vmem>> -> memref<1x40x128xf32, #tpu.memory_space<vmem>>
    %dma_start3A_167 = tpu.memref_squeeze %dma_start3A_166 : memref<1x40x128xf32, #tpu.memory_space<vmem>> -> memref<40x128xf32, #tpu.memory_space<vmem>>
    %dma_start3A_168 = arith.constant 0 : i32
    %dma_start3A_169 = tpu.memref_slice %arg4[%add3A_161, %dma_start3A_168] : memref<320000x128xf32, #tpu.memory_space<hbm>> -> memref<40x128xf32, #tpu.memory_space<hbm>>
    %dma_start3A_170 = tpu.memref_slice %arg10[%dma_start3A_163] : memref<5x!tpu.dma_semaphore, #tpu.memory_space<semaphore_mem>> -> memref<1x!tpu.dma_semaphore, #tpu.memory_space<semaphore_mem>>
    %dma_start3A_171 = tpu.memref_squeeze %dma_start3A_170 : memref<1x!tpu.dma_semaphore, #tpu.memory_space<semaphore_mem>> -> memref<!tpu.dma_semaphore, #tpu.memory_space<semaphore_mem>>
    %dma_start3A_172 = arith.constant 0 : i32
    %dma_start3A_173 = tpu.memref_slice %arg4[%add3A_161, %dma_start3A_172] : memref<320000x128xf32, #tpu.memory_space<hbm>> -> memref<40x128xf32, #tpu.memory_space<hbm>>
    %dma_start3A_174 = arith.constant 0 : i32
    %dma_start3A_175 = arith.constant 0 : i32
    %dma_start3A_176 = tpu.memref_slice %arg7[%dma_start3A_162, %dma_start3A_174, %dma_start3A_175] : memref<5x40x128xf32, #tpu.memory_space<vmem>> -> memref<1x40x128xf32, #tpu.memory_space<vmem>>
    %dma_start3A_177 = tpu.memref_squeeze %dma_start3A_176 : memref<1x40x128xf32, #tpu.memory_space<vmem>> -> memref<40x128xf32, #tpu.memory_space<vmem>>
    tpu.enqueue_dma source(%dma_start3A_177 : memref<40x128xf32, #tpu.memory_space<vmem>>) target(%dma_start3A_173 : memref<40x128xf32, #tpu.memory_space<hbm>>) target_semaphore(%dma_start3A_171 : memref<!tpu.dma_semaphore, #tpu.memory_space<semaphore_mem>>)
    %dma_wait3A_178 = arith.constant 3 : i32
    %dma_wait3A_179 = arith.constant 3 : i32
    %dma_wait3A_180 = arith.constant 0 : i32
    %dma_wait3A_181 = arith.constant 0 : i32
    %dma_wait3A_182 = tpu.memref_slice %arg7[%dma_wait3A_178, %dma_wait3A_180, %dma_wait3A_181] : memref<5x40x128xf32, #tpu.memory_space<vmem>> -> memref<1x40x128xf32, #tpu.memory_space<vmem>>
    %dma_wait3A_183 = tpu.memref_squeeze %dma_wait3A_182 : memref<1x40x128xf32, #tpu.memory_space<vmem>> -> memref<40x128xf32, #tpu.memory_space<vmem>>
    %dma_wait3A_184 = arith.constant 9920 : i32
    %dma_wait3A_185 = tpu.memref_slice %arg6[%dma_wait3A_184] : memref<10000xi32, #tpu.memory_space<vmem>> -> memref<40xi32, #tpu.memory_space<vmem>>
    %dma_wait3A_186 = arith.constant 0 : i32
    %dma_wait3A_187 = arith.constant 0 : i32
    %dma_wait3A_188 = tpu.memref_slice %arg5[%dma_wait3A_186, %dma_wait3A_187] : memref<10000x128xf32, #tpu.memory_space<vmem_shared>> -> memref<10000x128xf32, #tpu.memory_space<vmem_shared>>
    %dma_wait3A_189 = tpu.memref_slice %arg9[%dma_wait3A_179] : memref<5x!tpu.dma_semaphore, #tpu.memory_space<semaphore_mem>> -> memref<1x!tpu.dma_semaphore, #tpu.memory_space<semaphore_mem>>
    %dma_wait3A_190 = tpu.memref_squeeze %dma_wait3A_189 : memref<1x!tpu.dma_semaphore, #tpu.memory_space<semaphore_mem>> -> memref<!tpu.dma_semaphore, #tpu.memory_space<semaphore_mem>>
    tpu.wait_indirect_dma semaphore(%dma_wait3A_190 : memref<!tpu.dma_semaphore, #tpu.memory_space<semaphore_mem>>) src(%dma_wait3A_188 : memref<10000x128xf32, #tpu.memory_space<vmem_shared>>) dst(%dma_wait3A_183 : memref<40x128xf32, #tpu.memory_space<vmem>>)
    %add3A_191 = arith.constant 9920 : i32
    %add3A_192 = arith.addi %mul3A_2, %add3A_191 : i32
    %dma_start3A_193 = arith.constant 3 : i32
    %dma_start3A_194 = arith.constant 3 : i32
    %dma_start3A_195 = arith.constant 0 : i32
    %dma_start3A_196 = arith.constant 0 : i32
    %dma_start3A_197 = tpu.memref_slice %arg7[%dma_start3A_193, %dma_start3A_195, %dma_start3A_196] : memref<5x40x128xf32, #tpu.memory_space<vmem>> -> memref<1x40x128xf32, #tpu.memory_space<vmem>>
    %dma_start3A_198 = tpu.memref_squeeze %dma_start3A_197 : memref<1x40x128xf32, #tpu.memory_space<vmem>> -> memref<40x128xf32, #tpu.memory_space<vmem>>
    %dma_start3A_199 = arith.constant 0 : i32
    %dma_start3A_200 = tpu.memref_slice %arg4[%add3A_192, %dma_start3A_199] : memref<320000x128xf32, #tpu.memory_space<hbm>> -> memref<40x128xf32, #tpu.memory_space<hbm>>
    %dma_start3A_201 = tpu.memref_slice %arg10[%dma_start3A_194] : memref<5x!tpu.dma_semaphore, #tpu.memory_space<semaphore_mem>> -> memref<1x!tpu.dma_semaphore, #tpu.memory_space<semaphore_mem>>
    %dma_start3A_202 = tpu.memref_squeeze %dma_start3A_201 : memref<1x!tpu.dma_semaphore, #tpu.memory_space<semaphore_mem>> -> memref<!tpu.dma_semaphore, #tpu.memory_space<semaphore_mem>>
    %dma_start3A_203 = arith.constant 0 : i32
    %dma_start3A_204 = tpu.memref_slice %arg4[%add3A_192, %dma_start3A_203] : memref<320000x128xf32, #tpu.memory_space<hbm>> -> memref<40x128xf32, #tpu.memory_space<hbm>>
    %dma_start3A_205 = arith.constant 0 : i32
    %dma_start3A_206 = arith.constant 0 : i32
    %dma_start3A_207 = tpu.memref_slice %arg7[%dma_start3A_193, %dma_start3A_205, %dma_start3A_206] : memref<5x40x128xf32, #tpu.memory_space<vmem>> -> memref<1x40x128xf32, #tpu.memory_space<vmem>>
    %dma_start3A_208 = tpu.memref_squeeze %dma_start3A_207 : memref<1x40x128xf32, #tpu.memory_space<vmem>> -> memref<40x128xf32, #tpu.memory_space<vmem>>
    tpu.enqueue_dma source(%dma_start3A_208 : memref<40x128xf32, #tpu.memory_space<vmem>>) target(%dma_start3A_204 : memref<40x128xf32, #tpu.memory_space<hbm>>) target_semaphore(%dma_start3A_202 : memref<!tpu.dma_semaphore, #tpu.memory_space<semaphore_mem>>)
    %dma_wait3A_209 = arith.constant 4 : i32
    %dma_wait3A_210 = arith.constant 4 : i32
    %dma_wait3A_211 = arith.constant 0 : i32
    %dma_wait3A_212 = arith.constant 0 : i32
    %dma_wait3A_213 = tpu.memref_slice %arg7[%dma_wait3A_209, %dma_wait3A_211, %dma_wait3A_212] : memref<5x40x128xf32, #tpu.memory_space<vmem>> -> memref<1x40x128xf32, #tpu.memory_space<vmem>>
    %dma_wait3A_214 = tpu.memref_squeeze %dma_wait3A_213 : memref<1x40x128xf32, #tpu.memory_space<vmem>> -> memref<40x128xf32, #tpu.memory_space<vmem>>
    %dma_wait3A_215 = arith.constant 9960 : i32
    %dma_wait3A_216 = tpu.memref_slice %arg6[%dma_wait3A_215] : memref<10000xi32, #tpu.memory_space<vmem>> -> memref<40xi32, #tpu.memory_space<vmem>>
    %dma_wait3A_217 = arith.constant 0 : i32
    %dma_wait3A_218 = arith.constant 0 : i32
    %dma_wait3A_219 = tpu.memref_slice %arg5[%dma_wait3A_217, %dma_wait3A_218] : memref<10000x128xf32, #tpu.memory_space<vmem_shared>> -> memref<10000x128xf32, #tpu.memory_space<vmem_shared>>
    %dma_wait3A_220 = tpu.memref_slice %arg9[%dma_wait3A_210] : memref<5x!tpu.dma_semaphore, #tpu.memory_space<semaphore_mem>> -> memref<1x!tpu.dma_semaphore, #tpu.memory_space<semaphore_mem>>
    %dma_wait3A_221 = tpu.memref_squeeze %dma_wait3A_220 : memref<1x!tpu.dma_semaphore, #tpu.memory_space<semaphore_mem>> -> memref<!tpu.dma_semaphore, #tpu.memory_space<semaphore_mem>>
    tpu.wait_indirect_dma semaphore(%dma_wait3A_221 : memref<!tpu.dma_semaphore, #tpu.memory_space<semaphore_mem>>) src(%dma_wait3A_219 : memref<10000x128xf32, #tpu.memory_space<vmem_shared>>) dst(%dma_wait3A_214 : memref<40x128xf32, #tpu.memory_space<vmem>>)
    %add3A_222 = arith.constant 9960 : i32
    %add3A_223 = arith.addi %mul3A_2, %add3A_222 : i32
    %dma_start3A_224 = arith.constant 4 : i32
    %dma_start3A_225 = arith.constant 4 : i32
    %dma_start3A_226 = arith.constant 0 : i32
    %dma_start3A_227 = arith.constant 0 : i32
    %dma_start3A_228 = tpu.memref_slice %arg7[%dma_start3A_224, %dma_start3A_226, %dma_start3A_227] : memref<5x40x128xf32, #tpu.memory_space<vmem>> -> memref<1x40x128xf32, #tpu.memory_space<vmem>>
    %dma_start3A_229 = tpu.memref_squeeze %dma_start3A_228 : memref<1x40x128xf32, #tpu.memory_space<vmem>> -> memref<40x128xf32, #tpu.memory_space<vmem>>
    %dma_start3A_230 = arith.constant 0 : i32
    %dma_start3A_231 = tpu.memref_slice %arg4[%add3A_223, %dma_start3A_230] : memref<320000x128xf32, #tpu.memory_space<hbm>> -> memref<40x128xf32, #tpu.memory_space<hbm>>
    %dma_start3A_232 = tpu.memref_slice %arg10[%dma_start3A_225] : memref<5x!tpu.dma_semaphore, #tpu.memory_space<semaphore_mem>> -> memref<1x!tpu.dma_semaphore, #tpu.memory_space<semaphore_mem>>
    %dma_start3A_233 = tpu.memref_squeeze %dma_start3A_232 : memref<1x!tpu.dma_semaphore, #tpu.memory_space<semaphore_mem>> -> memref<!tpu.dma_semaphore, #tpu.memory_space<semaphore_mem>>
    %dma_start3A_234 = arith.constant 0 : i32
    %dma_start3A_235 = tpu.memref_slice %arg4[%add3A_223, %dma_start3A_234] : memref<320000x128xf32, #tpu.memory_space<hbm>> -> memref<40x128xf32, #tpu.memory_space<hbm>>
    %dma_start3A_236 = arith.constant 0 : i32
    %dma_start3A_237 = arith.constant 0 : i32
    %dma_start3A_238 = tpu.memref_slice %arg7[%dma_start3A_224, %dma_start3A_236, %dma_start3A_237] : memref<5x40x128xf32, #tpu.memory_space<vmem>> -> memref<1x40x128xf32, #tpu.memory_space<vmem>>
    %dma_start3A_239 = tpu.memref_squeeze %dma_start3A_238 : memref<1x40x128xf32, #tpu.memory_space<vmem>> -> memref<40x128xf32, #tpu.memory_space<vmem>>
    tpu.enqueue_dma source(%dma_start3A_239 : memref<40x128xf32, #tpu.memory_space<vmem>>) target(%dma_start3A_235 : memref<40x128xf32, #tpu.memory_space<hbm>>) target_semaphore(%dma_start3A_233 : memref<!tpu.dma_semaphore, #tpu.memory_space<semaphore_mem>>)
    %add3A_240 = arith.constant 9800 : i32
    %add3A_241 = arith.addi %mul3A_2, %add3A_240 : i32
    %dma_wait3A_242 = arith.constant 0 : i32
    %dma_wait3A_243 = arith.constant 0 : i32
    %dma_wait3A_244 = arith.constant 0 : i32
    %dma_wait3A_245 = arith.constant 0 : i32
    %dma_wait3A_246 = tpu.memref_slice %arg7[%dma_wait3A_242, %dma_wait3A_244, %dma_wait3A_245] : memref<5x40x128xf32, #tpu.memory_space<vmem>> -> memref<1x40x128xf32, #tpu.memory_space<vmem>>
    %dma_wait3A_247 = tpu.memref_squeeze %dma_wait3A_246 : memref<1x40x128xf32, #tpu.memory_space<vmem>> -> memref<40x128xf32, #tpu.memory_space<vmem>>
    %dma_wait3A_248 = arith.constant 0 : i32
    %dma_wait3A_249 = tpu.memref_slice %arg4[%add3A_241, %dma_wait3A_248] : memref<320000x128xf32, #tpu.memory_space<hbm>> -> memref<40x128xf32, #tpu.memory_space<hbm>>
    %dma_wait3A_250 = tpu.memref_slice %arg10[%dma_wait3A_243] : memref<5x!tpu.dma_semaphore, #tpu.memory_space<semaphore_mem>> -> memref<1x!tpu.dma_semaphore, #tpu.memory_space<semaphore_mem>>
    %dma_wait3A_251 = tpu.memref_squeeze %dma_wait3A_250 : memref<1x!tpu.dma_semaphore, #tpu.memory_space<semaphore_mem>> -> memref<!tpu.dma_semaphore, #tpu.memory_space<semaphore_mem>>
    %dma_wait3A_252 = arith.constant 0 : i32
    %dma_wait3A_253 = tpu.memref_slice %arg4[%add3A_241, %dma_wait3A_252] : memref<320000x128xf32, #tpu.memory_space<hbm>> -> memref<40x128xf32, #tpu.memory_space<hbm>>
    %dma_wait3A_254 = arith.constant 0 : i32
    %dma_wait3A_255 = arith.constant 0 : i32
    %dma_wait3A_256 = tpu.memref_slice %arg7[%dma_wait3A_242, %dma_wait3A_254, %dma_wait3A_255] : memref<5x40x128xf32, #tpu.memory_space<vmem>> -> memref<1x40x128xf32, #tpu.memory_space<vmem>>
    %dma_wait3A_257 = tpu.memref_squeeze %dma_wait3A_256 : memref<1x40x128xf32, #tpu.memory_space<vmem>> -> memref<40x128xf32, #tpu.memory_space<vmem>>
    tpu.wait_dma2 semaphore(%dma_wait3A_251 : memref<!tpu.dma_semaphore, #tpu.memory_space<semaphore_mem>>) src(%dma_wait3A_257 : memref<40x128xf32, #tpu.memory_space<vmem>>) dst(%dma_wait3A_253 : memref<40x128xf32, #tpu.memory_space<hbm>>)
    %add3A_258 = arith.constant 9840 : i32
    %add3A_259 = arith.addi %mul3A_2, %add3A_258 : i32
    %dma_wait3A_260 = arith.constant 1 : i32
    %dma_wait3A_261 = arith.constant 1 : i32
    %dma_wait3A_262 = arith.constant 0 : i32
    %dma_wait3A_263 = arith.constant 0 : i32
    %dma_wait3A_264 = tpu.memref_slice %arg7[%dma_wait3A_260, %dma_wait3A_262, %dma_wait3A_263] : memref<5x40x128xf32, #tpu.memory_space<vmem>> -> memref<1x40x128xf32, #tpu.memory_space<vmem>>
    %dma_wait3A_265 = tpu.memref_squeeze %dma_wait3A_264 : memref<1x40x128xf32, #tpu.memory_space<vmem>> -> memref<40x128xf32, #tpu.memory_space<vmem>>
    %dma_wait3A_266 = arith.constant 0 : i32
    %dma_wait3A_267 = tpu.memref_slice %arg4[%add3A_259, %dma_wait3A_266] : memref<320000x128xf32, #tpu.memory_space<hbm>> -> memref<40x128xf32, #tpu.memory_space<hbm>>
    %dma_wait3A_268 = tpu.memref_slice %arg10[%dma_wait3A_261] : memref<5x!tpu.dma_semaphore, #tpu.memory_space<semaphore_mem>> -> memref<1x!tpu.dma_semaphore, #tpu.memory_space<semaphore_mem>>
    %dma_wait3A_269 = tpu.memref_squeeze %dma_wait3A_268 : memref<1x!tpu.dma_semaphore, #tpu.memory_space<semaphore_mem>> -> memref<!tpu.dma_semaphore, #tpu.memory_space<semaphore_mem>>
    %dma_wait3A_270 = arith.constant 0 : i32
    %dma_wait3A_271 = tpu.memref_slice %arg4[%add3A_259, %dma_wait3A_270] : memref<320000x128xf32, #tpu.memory_space<hbm>> -> memref<40x128xf32, #tpu.memory_space<hbm>>
    %dma_wait3A_272 = arith.constant 0 : i32
    %dma_wait3A_273 = arith.constant 0 : i32
    %dma_wait3A_274 = tpu.memref_slice %arg7[%dma_wait3A_260, %dma_wait3A_272, %dma_wait3A_273] : memref<5x40x128xf32, #tpu.memory_space<vmem>> -> memref<1x40x128xf32, #tpu.memory_space<vmem>>
    %dma_wait3A_275 = tpu.memref_squeeze %dma_wait3A_274 : memref<1x40x128xf32, #tpu.memory_space<vmem>> -> memref<40x128xf32, #tpu.memory_space<vmem>>
    tpu.wait_dma2 semaphore(%dma_wait3A_269 : memref<!tpu.dma_semaphore, #tpu.memory_space<semaphore_mem>>) src(%dma_wait3A_275 : memref<40x128xf32, #tpu.memory_space<vmem>>) dst(%dma_wait3A_271 : memref<40x128xf32, #tpu.memory_space<hbm>>)
    %add3A_276 = arith.constant 9880 : i32
    %add3A_277 = arith.addi %mul3A_2, %add3A_276 : i32
    %dma_wait3A_278 = arith.constant 2 : i32
    %dma_wait3A_279 = arith.constant 2 : i32
    %dma_wait3A_280 = arith.constant 0 : i32
    %dma_wait3A_281 = arith.constant 0 : i32
    %dma_wait3A_282 = tpu.memref_slice %arg7[%dma_wait3A_278, %dma_wait3A_280, %dma_wait3A_281] : memref<5x40x128xf32, #tpu.memory_space<vmem>> -> memref<1x40x128xf32, #tpu.memory_space<vmem>>
    %dma_wait3A_283 = tpu.memref_squeeze %dma_wait3A_282 : memref<1x40x128xf32, #tpu.memory_space<vmem>> -> memref<40x128xf32, #tpu.memory_space<vmem>>
    %dma_wait3A_284 = arith.constant 0 : i32
    %dma_wait3A_285 = tpu.memref_slice %arg4[%add3A_277, %dma_wait3A_284] : memref<320000x128xf32, #tpu.memory_space<hbm>> -> memref<40x128xf32, #tpu.memory_space<hbm>>
    %dma_wait3A_286 = tpu.memref_slice %arg10[%dma_wait3A_279] : memref<5x!tpu.dma_semaphore, #tpu.memory_space<semaphore_mem>> -> memref<1x!tpu.dma_semaphore, #tpu.memory_space<semaphore_mem>>
    %dma_wait3A_287 = tpu.memref_squeeze %dma_wait3A_286 : memref<1x!tpu.dma_semaphore, #tpu.memory_space<semaphore_mem>> -> memref<!tpu.dma_semaphore, #tpu.memory_space<semaphore_mem>>
    %dma_wait3A_288 = arith.constant 0 : i32
    %dma_wait3A_289 = tpu.memref_slice %arg4[%add3A_277, %dma_wait3A_288] : memref<320000x128xf32, #tpu.memory_space<hbm>> -> memref<40x128xf32, #tpu.memory_space<hbm>>
    %dma_wait3A_290 = arith.constant 0 : i32
    %dma_wait3A_291 = arith.constant 0 : i32
    %dma_wait3A_292 = tpu.memref_slice %arg7[%dma_wait3A_278, %dma_wait3A_290, %dma_wait3A_291] : memref<5x40x128xf32, #tpu.memory_space<vmem>> -> memref<1x40x128xf32, #tpu.memory_space<vmem>>
    %dma_wait3A_293 = tpu.memref_squeeze %dma_wait3A_292 : memref<1x40x128xf32, #tpu.memory_space<vmem>> -> memref<40x128xf32, #tpu.memory_space<vmem>>
    tpu.wait_dma2 semaphore(%dma_wait3A_287 : memref<!tpu.dma_semaphore, #tpu.memory_space<semaphore_mem>>) src(%dma_wait3A_293 : memref<40x128xf32, #tpu.memory_space<vmem>>) dst(%dma_wait3A_289 : memref<40x128xf32, #tpu.memory_space<hbm>>)
    %add3A_294 = arith.constant 9920 : i32
    %add3A_295 = arith.addi %mul3A_2, %add3A_294 : i32
    %dma_wait3A_296 = arith.constant 3 : i32
    %dma_wait3A_297 = arith.constant 3 : i32
    %dma_wait3A_298 = arith.constant 0 : i32
    %dma_wait3A_299 = arith.constant 0 : i32
    %dma_wait3A_300 = tpu.memref_slice %arg7[%dma_wait3A_296, %dma_wait3A_298, %dma_wait3A_299] : memref<5x40x128xf32, #tpu.memory_space<vmem>> -> memref<1x40x128xf32, #tpu.memory_space<vmem>>
    %dma_wait3A_301 = tpu.memref_squeeze %dma_wait3A_300 : memref<1x40x128xf32, #tpu.memory_space<vmem>> -> memref<40x128xf32, #tpu.memory_space<vmem>>
    %dma_wait3A_302 = arith.constant 0 : i32
    %dma_wait3A_303 = tpu.memref_slice %arg4[%add3A_295, %dma_wait3A_302] : memref<320000x128xf32, #tpu.memory_space<hbm>> -> memref<40x128xf32, #tpu.memory_space<hbm>>
    %dma_wait3A_304 = tpu.memref_slice %arg10[%dma_wait3A_297] : memref<5x!tpu.dma_semaphore, #tpu.memory_space<semaphore_mem>> -> memref<1x!tpu.dma_semaphore, #tpu.memory_space<semaphore_mem>>
    %dma_wait3A_305 = tpu.memref_squeeze %dma_wait3A_304 : memref<1x!tpu.dma_semaphore, #tpu.memory_space<semaphore_mem>> -> memref<!tpu.dma_semaphore, #tpu.memory_space<semaphore_mem>>
    %dma_wait3A_306 = arith.constant 0 : i32
    %dma_wait3A_307 = tpu.memref_slice %arg4[%add3A_295, %dma_wait3A_306] : memref<320000x128xf32, #tpu.memory_space<hbm>> -> memref<40x128xf32, #tpu.memory_space<hbm>>
    %dma_wait3A_308 = arith.constant 0 : i32
    %dma_wait3A_309 = arith.constant 0 : i32
    %dma_wait3A_310 = tpu.memref_slice %arg7[%dma_wait3A_296, %dma_wait3A_308, %dma_wait3A_309] : memref<5x40x128xf32, #tpu.memory_space<vmem>> -> memref<1x40x128xf32, #tpu.memory_space<vmem>>
    %dma_wait3A_311 = tpu.memref_squeeze %dma_wait3A_310 : memref<1x40x128xf32, #tpu.memory_space<vmem>> -> memref<40x128xf32, #tpu.memory_space<vmem>>
    tpu.wait_dma2 semaphore(%dma_wait3A_305 : memref<!tpu.dma_semaphore, #tpu.memory_space<semaphore_mem>>) src(%dma_wait3A_311 : memref<40x128xf32, #tpu.memory_space<vmem>>) dst(%dma_wait3A_307 : memref<40x128xf32, #tpu.memory_space<hbm>>)
    %add3A_312 = arith.constant 9960 : i32
    %add3A_313 = arith.addi %mul3A_2, %add3A_312 : i32
    %dma_wait3A_314 = arith.constant 4 : i32
    %dma_wait3A_315 = arith.constant 4 : i32
    %dma_wait3A_316 = arith.constant 0 : i32
    %dma_wait3A_317 = arith.constant 0 : i32
    %dma_wait3A_318 = tpu.memref_slice %arg7[%dma_wait3A_314, %dma_wait3A_316, %dma_wait3A_317] : memref<5x40x128xf32, #tpu.memory_space<vmem>> -> memref<1x40x128xf32, #tpu.memory_space<vmem>>
    %dma_wait3A_319 = tpu.memref_squeeze %dma_wait3A_318 : memref<1x40x128xf32, #tpu.memory_space<vmem>> -> memref<40x128xf32, #tpu.memory_space<vmem>>
    %dma_wait3A_320 = arith.constant 0 : i32
    %dma_wait3A_321 = tpu.memref_slice %arg4[%add3A_313, %dma_wait3A_320] : memref<320000x128xf32, #tpu.memory_space<hbm>> -> memref<40x128xf32, #tpu.memory_space<hbm>>
    %dma_wait3A_322 = tpu.memref_slice %arg10[%dma_wait3A_315] : memref<5x!tpu.dma_semaphore, #tpu.memory_space<semaphore_mem>> -> memref<1x!tpu.dma_semaphore, #tpu.memory_space<semaphore_mem>>
    %dma_wait3A_323 = tpu.memref_squeeze %dma_wait3A_322 : memref<1x!tpu.dma_semaphore, #tpu.memory_space<semaphore_mem>> -> memref<!tpu.dma_semaphore, #tpu.memory_space<semaphore_mem>>
    %dma_wait3A_324 = arith.constant 0 : i32
    %dma_wait3A_325 = tpu.memref_slice %arg4[%add3A_313, %dma_wait3A_324] : memref<320000x128xf32, #tpu.memory_space<hbm>> -> memref<40x128xf32, #tpu.memory_space<hbm>>
    %dma_wait3A_326 = arith.constant 0 : i32
    %dma_wait3A_327 = arith.constant 0 : i32
    %dma_wait3A_328 = tpu.memref_slice %arg7[%dma_wait3A_314, %dma_wait3A_326, %dma_wait3A_327] : memref<5x40x128xf32, #tpu.memory_space<vmem>> -> memref<1x40x128xf32, #tpu.memory_space<vmem>>
    %dma_wait3A_329 = tpu.memref_squeeze %dma_wait3A_328 : memref<1x40x128xf32, #tpu.memory_space<vmem>> -> memref<40x128xf32, #tpu.memory_space<vmem>>
    tpu.wait_dma2 semaphore(%dma_wait3A_323 : memref<!tpu.dma_semaphore, #tpu.memory_space<semaphore_mem>>) src(%dma_wait3A_329 : memref<40x128xf32, #tpu.memory_space<vmem>>) dst(%dma_wait3A_325 : memref<40x128xf32, #tpu.memory_space<hbm>>)
    return
  }
}

</mosaic_0001>

<sc_bundles>
// kernel: kernel.3.cloned.1.call-start
scs
__scs_entry_jumppad:
0x0: {  	(pc) =	sbr.rel $0x88, $3  }
0x1: {  	(tag) =	ssettag $0x0;
	lr =	simm.s32 $0x1  }
0x2: {  	[smem:$0x3F9F] =	sst lr;
	_ =	strace $0xD0000000  }
0x3: {  	_ = 	snop  }
0x4: {  	_ = 	snop  }
0x5: {  	_ = 	snop  }
0x6: {  	_ = 	snop  }
0x7: {  	_ = 	snop  }
__scs_overlays_trampoline_lowered:
0x8: {  	[smem:$0x3FAE] =	sst s0  }
0x9: {  	[smem:$0x3FAF] =	sst s1  }
0xa: {  	[smem:$0x3FB0] =	sst s2  }
0xb: {  	[smem:$0x3FB1] =	sst s3  }
0xc: {  	[smem:$0x3FB2] =	sst s4  }
0xd: {  	[smem:$0x3FB3] =	sst s5  }
0xe: {  	[smem:$0x3FB4] =	sst s6  }
0xf: {  	[smem:$0x3FB5] =	sst s7  }
0x10: {  	[smem:$0x3FB6] =	sst s8  }
0x11: {  	[smem:$0x3FB7] =	sst s9;
	s0 =	simm.s32 @!p0 $0x0  }
0x12: {  	s1 =	sld [smem:$0x3F9D];
	s0 =	simm.s32 @p0 $0x1  }
0x13: {  	[smem:$0x3FB8] =	sst s0;
	s0 =	simm.s32 @!p1 $0x0  }
0x14: {  	s2 =	sld [smem:$0x3F9C];
	s0 =	simm.s32 @p1 $0x1  }
0x15: {  	[smem:$0x3FB9] =	sst s0;
	s0 =	simm.s32 @!p2 $0x0  }
0x16: {  	s3 =	sld [smem:$0x3FDB];
	s0 =	simm.s32 @p2 $0x1  }
0x17: {  	s4 =	simm.s32 $0x1BF5;
	[smem:$0x3FBB] =	sst s0  }
0x18: {  	s0 =	sld [smem:$0x3F9E];
	_ =	swait.ge [sflag:s4], $0x0  }
0x19: {  	s7 =	sld [smem:$0x3F9F]  }
0x1a: {  	s8 =	sadd.s32 $0xFFFFE003, lr  }
0x1b: {  	s9 =	sadd.s32 $0xFFFFFEF7, lr;
	s5 =	simm.s32 $0xFFFFFFFF;
	p2 =	slt.u32 s8, $0xFFFFF086  }
0x1c: {  	p1 =	slt.u32 s9, $0xF7A;
	s5 =	simm.s32 @!p2 $0x0  }
0x1d: {  	s5 =	simm.s32 @p1 $0x1;
	p0 =	seq.s32 s7, s2  }
0x1e: {  	s7 =	smul.u32 @!p0 $0xF7A, s2;
	p2 =	seq.s32 @!p0 s5, $0x0  }
0x1f: {  	s9 =	smul.u32 $0xF7A, s1;
	s8 =	simm.s32 @!p0 $0x1BF5;
	p2 =	por !p2, p0  }
0x20: {  	[sflag:s8] =	ssyncset.s32 @!p0 $0xFFFFF086;
	s6 =	sadd.s32 @!p0 s3, s7;
	s7 =	simm.s32 @!p0 $0x108  }
0x21: {  	s3 =	sadd.s32 s3, s9;
	s6 =	sadd.s32 @!p0 $0x88, s6;
	s7 =	simm.s32 @p2 $0x1082  }
0x22: {  	[simem:s7], [sflag:s8] =	dma.local @!p0 [hbm:s6], $0xF7A  }
0x23: {  	s9 =	sor.u32 $0xD0000000, s2;
	s6 =	simm.s32 $0x108;
	_ =	swait.ge @!p0 [sflag:s8], $0x0  }
0x24: {  	s3 =	sadd.s32 $0x88, s3;
	s6 =	simm.s32 @!p1 $0x1082;
	[sflag:s4] =	ssyncset.s32 $0xFFFFF086  }
0x25: {  	[simem:s6], [sflag:s4] =	dma.local [hbm:s3], $0xF7A  }
0x26: {  	[smem:$0x3F9F] =	sst s1;
	(tag) =	ssettag s2;
	_ =	strace s9  }
0x27: {  	s1 =	sld [smem:$0x3FAF]  }
0x28: {  	s2 =	sld [smem:$0x3FB0]  }
0x29: {  	s4 =	sld [smem:$0x3FB2]  }
0x2a: {  	p0 =	seq.s32 s5, $0x0;
	s5 =	sld [smem:$0x3FB3]  }
0x2b: {  	s6 =	sld [smem:$0x3FB4]  }
0x2c: {  	s7 =	sld [smem:$0x3FB5]  }
0x2d: {  	s3 =	simm.s32 $0x108;
	s8 =	sld [smem:$0x3FB6]  }
0x2e: {  	s3 =	simm.s32 @!p0 $0x1082;
	s9 =	sld [smem:$0x3FB7]  }
0x2f: {  	lr =	sadd.s32 s0, s3;
	s0 =	sld [smem:$0x3FAE]  }
0x30: {  	s3 =	sld [smem:$0x3FB1]  }
0x31: {  	[smem:$0x3FBA] =	sst s10  }
0x32: {  	s10 =	sld [smem:$0x3FB8];
	_ =	sdelay $0x3  }
0x33: {  	p0 =	seq.s32 s10, $0x1;
	s10 =	sld [smem:$0x3FBA];
	_ =	sdelay $0x3  }
0x34: {  	[smem:$0x3FBA] =	sst s10  }
0x35: {  	s10 =	sld [smem:$0x3FB9];
	_ =	sdelay $0x3  }
0x36: {  	p1 =	seq.s32 s10, $0x1;
	s10 =	sld [smem:$0x3FBA];
	_ =	sdelay $0x3  }
0x37: {  	[smem:$0x3FBA] =	sst s10  }
0x38: {  	s10 =	sld [smem:$0x3FBB]  }
0x39: {  	_ = 	snop;
	(pc) =	sbr.ind lr, $3  }
0x3a: {  	_ = 	snop  }
0x3b: {  	_ = 	snop  }
0x3c: {  	p2 =	seq.s32 s10, $0x1;
	s10 =	sld [smem:$0x3FBA]  }
0x3d: {  	_ =	shalt  }
0x3e: {  	_ =	shalt  }
0x3f: {  	_ =	shalt  }
0x40: {  	_ =	shalt  }
0x41: {  	_ =	shalt  }
0x42: {  	_ =	shalt  }
0x43: {  	_ =	shalt  }
0x44: {  	_ =	shalt  }
0x45: {  	_ =	shalt  }
0x46: {  	_ =	shalt  }
0x47: {  	_ =	shalt  }
0x48: {  	_ =	shalt  }
0x49: {  	_ =	shalt  }
0x4a: {  	_ =	shalt  }
0x4b: {  	_ =	shalt  }
0x4c: {  	_ =	shalt  }
0x4d: {  	_ =	shalt  }
0x4e: {  	_ =	shalt  }
0x4f: {  	_ =	shalt  }
0x50: {  	_ =	shalt  }
0x51: {  	_ =	shalt  }
0x52: {  	_ =	shalt  }
0x53: {  	_ =	shalt  }
0x54: {  	_ =	shalt  }
0x55: {  	_ =	shalt  }
0x56: {  	_ =	shalt  }
0x57: {  	_ =	shalt  }
0x58: {  	_ =	shalt  }
0x59: {  	_ =	shalt  }
0x5a: {  	_ =	shalt  }
0x5b: {  	_ =	shalt  }
0x5c: {  	_ =	shalt  }
0x5d: {  	_ =	shalt  }
0x5e: {  	_ =	shalt  }
0x5f: {  	_ =	shalt  }
0x60: {  	_ =	shalt  }
0x61: {  	_ =	shalt  }
0x62: {  	_ =	shalt  }
0x63: {  	_ =	shalt  }
0x64: {  	_ =	shalt  }
0x65: {  	_ =	shalt  }
0x66: {  	_ =	shalt  }
0x67: {  	_ =	shalt  }
0x68: {  	_ =	shalt  }
0x69: {  	_ =	shalt  }
0x6a: {  	_ =	shalt  }
0x6b: {  	_ =	shalt  }
0x6c: {  	_ =	shalt  }
0x6d: {  	_ =	shalt  }
0x6e: {  	_ =	shalt  }
0x6f: {  	_ =	shalt  }
0x70: {  	_ =	shalt  }
0x71: {  	_ =	shalt  }
0x72: {  	_ =	shalt  }
0x73: {  	_ =	shalt  }
0x74: {  	_ =	shalt  }
0x75: {  	_ =	shalt  }
0x76: {  	_ =	shalt  }
0x77: {  	_ =	shalt  }
0x78: {  	_ =	shalt  }
0x79: {  	_ =	shalt  }
0x7a: {  	_ =	shalt  }
0x7b: {  	_ =	shalt  }
0x7c: {  	_ =	shalt  }
0x7d: {  	_ =	shalt  }
0x7e: {  	_ =	shalt  }
0x7f: {  	_ =	shalt  }
0x80: {  	_ =	shalt  }
0x81: {  	_ =	shalt  }
0x82: {  	_ =	shalt  }
0x83: {  	_ =	shalt  }
0x84: {  	_ =	shalt  }
0x85: {  	_ =	shalt  }
0x86: {  	_ =	shalt  }
0x87: {  	_ =	shalt  }
.Lfunc_end0:
.L_simem_size_0:
called_computation_lowered:
.L_overlay_start_0:
0x88: {  	s2 =	sld [smem:$0x3FD9]  }
0x89: {  	s3 =	sld [smem:$0x3FFE];
	_ =	sdelay $0x1  }
0x8a: {  	s1 =	srdreg.scid  }
0x8b: {  	s0 =	sand.u32 $0x1, s1  }
0x8c: {  	s18 =	sshll.u32 s0, $0xA;
	s2 =	sadd.s32 s3, s2  }
0x8d: {  	s2 =	sadd.s32 s2, s18  }
0x8e: {  	[smem:$0x3FC6] =	sst s2  }
0x8f: {  	_ = 	snop  }
0x90: {  	s2 =	sld [smem:$0x3FC9]  }
0x91: {  	s19 =	sld [smem:$0x3FC8]  }
0x92: {  	s4 =	sld [smem:$0x3FD0];
	(tm) =	ssettm $0x1  }
0x93: {  	s5 =	sld [smem:$0x3FFB];
	_ =	sdelay $0x3  }
0x94: {  	_ =	strace s5  }
0x95: {  	s5 =	sld [smem:$0x3FFC];
	_ =	sdelay $0x3  }
0x96: {  	_ =	strace s5  }
0x97: {  	s5 =	sld [smem:$0x3FFD];
	_ =	sdelay $0x3  }
0x98: {  	_ =	strace s5  }
0x99: {  	_ =	strace $0x8FFFFFFF  }
0x9a: {  	s20 =	sld [smem:$0x3FDB];
	_ =	sdelay $0x1  }
0x9b: {  	s6 =	simm.s32 $_scs_section_size  }
0x9c: {  	s7 =	simm.s32 $_size__tile_overlayer_lowered;
	s8 =	simm.s32 $_tile_overlayer_lowered  }
0x9d: {  	s23 =	simm.s32 $0x1BFF;
	s22 =	sshll.u32 s8, $0x1;
	s5 =	sadd.s32 s6, s20  }
0x9e: {  	s9 =	simm.s32 $0x0;
	s21 =	sshll.u32 s7, $0x1;
	s7 =	sadd.s32 s22, s5  }
0x9f: {  	[timem:s9], [sflag:s23] =	dma.local [hbm:s7], s21  }
0xa0: {  	_ =	swait.ge [sflag:s23], s21  }
0xa1: {  	s6 =	ssub.s32 $0x0, s21;
	[sflag:s23] =	ssyncset.done $0x0  }
0xa2: {  	[sflag:s23] =	ssyncadd.s32 s6;
	_ =	sdelay $0x1  }
0xa3: {  	s24 =	simm.s32 $0x1B8B  }
0xa4: {  	_ =	swait.ge [sflag:s24], $0x1  }
0xa5: {  	[sflag:s24] =	ssyncset.done $0x0  }
0xa6: {  	s25 =	simm.s32 $0x1B8E;
	[sflag:s24] =	ssyncadd.s32 $0xFFFFFFFF  }
0xa7: {  	s26 =	simm.s32 $execute0_lowered;
	[smem:$0x3FD2] =	sst s25  }
0xa8: {  	s6 =	sshll.u32 s26, $0x1;
	_ =	strace $0x80000046;
	[dreg:$0x1] =	wrdreg $0xFFFFFFFF  }
0xa9: {  	s28 =	simm.s32 $_size_execute0_lowered;
	s5 =	sadd.s32 s5, s6;
	[dreg:$0x0] =	wrdreg $0x0  }
0xaa: {  	s6 =	sshll.u32 s28, $0x1;
	[dreg:$0x2] =	wrdreg s5  }
0xab: {  	[dreg:$0x3] =	wrdreg s6  }
0xac: {  	[dreg:$0x4] =	wrdreg $0xC0  }
0xad: {  	_ =	task [dreg:s9], $0x5FFFF  }
0xae: {  	[dreg:$0x1] =	wrdreg $0xFFFFFFFF  }
0xaf: {  	[dreg:$0x0] =	wrdreg $0x60  }
0xb0: {  	[dreg:$0x2] =	wrdreg s2  }
0xb1: {  	[dreg:$0x3] =	wrdreg s19  }
0xb2: {  	[dreg:$0x4] =	wrdreg s4  }
0xb3: {  	[dreg:$0x5] =	wrdreg $0x0  }
0xb4: {  	[dreg:$0x6] =	wrdreg $0x9  }
0xb5: {  	_ =	task.clear_ibuf [dreg:s9], $0x7FFFF;
	_ =	strace $0x90000046  }
0xb6: {  	s29 =	simm.s32 $0x9;
	_ =	strace $0x80000048  }
0xb7: {  	_ =	swait.ge [sflag:s29], $0x1  }
0xb8: {  	[sflag:s29] =	ssyncadd.s32 $0xFFFFFFFF  }
0xb9: {  	_ =	strace $0x90000048  }
0xba: {  	_ =	sfence  }
0xbb: {  	s30 =	sld [smem:$0x0];
	_ =	sdelay $0x2  }
0xbc: {  	s31 =	sshll.u32 s1, $0xD;
	s1 =	sshrl.u32 s1, $0x2  }
0xbd: {  	s3 =	sand.u32 $0x4000, s31;
	s1 =	sadd.s32 s1, s30  }
0xbe: {  	s0 =	sor.u32 s3, s0;
	s1 =	sshll.u32 s1, $0x11  }
0xbf: {  	s0 =	sor.u32 s1, s0  }
0xc0: {  	s0 =	sadd.s32 $0x8F2B, s0  }
0xc1: {  	[sflag:s0] =	ssyncadd.remote.s32 $0x1  }
0xc2: {  	_ =	sfence.sel $0xFFFF  }
0xc3: {  	[dreg:$0x0] =	wrdreg $0xFFFFFFFF;
	(pc) =	sbr.abs _section_cstart, $3  }
0xc4: {  	[dreg:$0x1] =	wrdreg $0xFFFFFFFF  }
0xc5: {  	_ =	task.clear_ibuf [dreg:s9], $0x2FFFF;
	_ =	strace $0x9FFFFFFF  }
0xc6: {  	(tm) =	ssettm $0x7FFFFFFF  }
0xc7: {  	_ =	shalt  }
tec
execute0_lowered:
.L_overlay_start_1:
0x0: {  	(tag) =	ssettag $0x1  }
0x1: {  	s0 =	rddreg [dreg:$0x0]  }
0x2: {  	s1 =	rddreg [dreg:$0x1]  }
0x3: {  	s4 =	rddreg [dreg:$0x2]  }
0x4: {  	s3 =	srdreg.scid;
	s5 =	stileid.u32  }
0x5: {  	s2 =	rddreg [dreg:$0x3];
	s16 =	simm.s32 $0x13880;
	s28 =	simm.s32 $0x2  }
0x6: {  	s30 =	simm.s32 $0x1B000;
	s31 =	simm.s32 $0x3;
	s29 =	simm.s32 $0x5  }
0x7: {  	s6 =	sand.u32 $0x1, s3;
	s17 =	sshll.u32 s5, $0x1;
	s11 =	smul.u32 $0x4E000, s5  }
0x8: {  	s3 =	simm.s32 $0x0;
	s18 =	smul.u32 $0x2700, s5;
	s12 =	sshll.u32 s5, $0x6  }
0x9: {  	s22 =	smul.u32 $0x4E200, s5;
	s24 =	sadd.s32 $0x27000, s0;
	p0 =	sne.s32 s5, $0x0  }
0xa: {  	s5 =	simm.s32 $0x6;
	s7 =	sor.u32 s6, s17;
	s8 =	ssub.s32 $0x2, s6  }
0xb: {  	[smem:$0x7FF] =	sst s3;
	s19 =	sor.u32 $0x1C01, s12;
	s6 =	smul.u32 $0x27100, s6  }
0xc: {  	s17 =	simm.s32 $0xC;
	s9 =	smul.u32 $0x2710, s7;
	s10 =	sshrl.u32 s8, $0x1  }
0xd: {  	_ =	strace $0x80000047;
	s13 =	smul.u32 $0x138800, s7;
	[dreg:$0x6] =	wrdreg s19  }
0xe: {  	s11 =	sshrl.u32 s11, $0x2;
	s7 =	smul.u32 $0x27100, s7;
	[dreg:$0xa] =	wrdreg s24  }
0xf: {  	s19 =	simm.s32 $0x16000;
	s24 =	simm.s32 $0x8;
	s8 =	ssub.s32 s8, s10  }
0x10: {  	s11 =	sadd.s32 s11, s2;
	s10 =	sadd.s32 s0, s18;
	s18 =	simm.s32 $0x28  }
0x11: {  	[dreg:$0x5] =	wrdreg s10;
	s9 =	sshrl.u32 s9, $0x3;
	s20 =	sshrl.u32 s13, $0x3  }
0x12: {  	s7 =	sadd.s32 s4, s7;
	s13 =	smax.u32 s8, $0x1;
	s15 =	sshrl.u32 s11, $0x3  }
0x13: {  	s8 =	simm.s32 $0x0;
	s1 =	sadd.s32 s1, s9;
	s21 =	sadd.s32 s4, s20  }
0x14: {  	[dreg:$0x8] =	wrdreg s7;
	s7 =	sadd.s32 $0x138000, s2;
	s4 =	sadd.s32 s22, s4  }
0x15: {  	s20 =	simm.s32 $0x7;
	[dreg:$0x7] =	wrdreg s1;
	s23 =	sadd.s32 $0x280, s21  }
0x16: {  	s22 =	simm.s32 $0x4;
	s25 =	sadd.s32 $0x26980, s21;
	[dreg:$0x9] =	wrdreg s23  }
0x17: {  	s26 =	sadd.s32 $0x26C00, s21;
	s4 =	sadd.s32 s6, s4;
	[dreg:$0xb] =	wrdreg s25  }
0x18: {  	s1 =	sadd.s32 $0x26E80, s21;
	s21 =	simm.s32 $0x17400;
	[dreg:$0xc] =	wrdreg s26  }
0x19: {  	s6 =	simm.s32 $0xA;
	[dreg:$0xd] =	wrdreg s1;
	s14 =	sadd.s32 $0x780, s4  }
0x1a: {  	s23 =	simm.s32 $0x18800;
	s25 =	sshrl.u32 @!p0 s7, $0x3;
	s26 =	simm.s32 $0x19C00  }
0x1b: {  	s1 =	simm.s32 $0x1;
	s4 =	simm.s32 $0x9;
	s7 =	simm.s32 $0xB  }
.LBB2_1:
0x1c: {  	s9 =	rddreg [dreg:$0x5]  }
0x1d: {  	s10 =	rddreg [dreg:$0x6]  }
0x1e: {  	[spmem:s15], [sflag:s10] =	dma.local [hbm:s9], $0x2700  }
0x1f: {  	s9 =	rddreg [dreg:$0x7]  }
0x20: {  	[tilespmem:s16], [sflag:$0xC] =	stream.linear.gather [hbm4b:s9+s3], $0x2710, $0x38;
	[tilespmem:$0x1C400] =	vst v63  }
0x21: {  	_ =	swait.ge [sflag:s17], $0x2710  }
0x22: {  	[sflag:s17] =	ssyncset.done $0x0  }
0x23: {  	[sflag:s17] =	ssyncadd.s32 $0xFFFFD8F0  }
0x24: {  	[tilespmem:s19], [sflag:$0x2] =	stream.indirect.gather [hbm4b:s0+s18], $0x80, s16, s18, $0xb8;
	[tilespmem:$0x1C400] =	vst v63  }
0x25: {  	s11 =	simm.s32 $0x138A8  }
0x26: {  	[tilespmem:s21], [sflag:$0x3] =	stream.indirect.gather [hbm4b:s0+s18], $0x80, s11, s18, $0xb8;
	[tilespmem:$0x1C400] =	vst v63  }
0x27: {  	s12 =	simm.s32 $0x138D0  }
0x28: {  	[tilespmem:s23], [sflag:$0x4] =	stream.indirect.gather [hbm4b:s0+s18], $0x80, s12, s18, $0xb8;
	[tilespmem:$0x1C400] =	vst v63  }
0x29: {  	s10 =	simm.s32 $0x138F8  }
0x2a: {  	[tilespmem:s26], [sflag:$0x5] =	stream.indirect.gather [hbm4b:s0+s18], $0x80, s10, s18, $0xb8;
	[tilespmem:$0x1C400] =	vst v63  }
0x2b: {  	_ =	swait.ge [sflag:s28], $0x1400  }
0x2c: {  	[sflag:s28] =	ssyncset.done $0x0  }
0x2d: {  	s11 =	rddreg [dreg:$0x8];
	[sflag:s28] =	ssyncadd.s32 $0xFFFFEC00  }
0x2e: {  	[hbm4b:s11+s3] =	stream.linear.scatter [tilespmem:s19], [sflag:$0x7], $0x1400, $0x38;
	[tilespmem:$0x1C400] =	vst v63  }
0x2f: {  	s12 =	simm.s32 $0x13920  }
0x30: {  	[tilespmem:s30], [sflag:$0x6] =	stream.indirect.gather [hbm4b:s0+s18], $0x80, s12, s18, $0xb8;
	[tilespmem:$0x1C400] =	vst v63  }
0x31: {  	_ =	swait.ge [sflag:s31], $0x1400  }
0x32: {  	[sflag:s31] =	ssyncset.done $0x0  }
0x33: {  	s10 =	rddreg [dreg:$0x9];
	[sflag:s31] =	ssyncadd.s32 $0xFFFFEC00  }
0x34: {  	[hbm4b:s10+s3] =	stream.linear.scatter [tilespmem:s21], [sflag:$0x8], $0x1400, $0x38;
	[tilespmem:$0x1C400] =	vst v63  }
0x35: {  	_ =	swait.ge [sflag:s1], $0x2700  }
0x36: {  	[sflag:s1] =	ssyncset.done $0x0  }
0x37: {  	s9 =	simm.s32 @!p0 $0x1C0C;
	s10 =	rddreg [dreg:$0xa];
	[sflag:s1] =	ssyncadd.s32 $0xFFFFD900  }
0x38: {  	[spmem:s25], [sflag:s9] =	dma.local @!p0 [hbm:s10], $0x100  }
0x39: {  	s9 =	simm.s32 @!p0 $0xC  }
0x3a: {  	_ =	swait.ge @!p0 [sflag:s9], $0x100  }
0x3b: {  	[sflag:s9] =	ssyncset.done @!p0 $0x0  }
0x3c: {  	[sflag:s9] =	ssyncadd.s32 @!p0 $0xFFFFFF00  }
0x3d: {  	[bflag:$0x0] =	sbarrier.arrive $0xFFFF  }
0x3e: {  	_ =	swait.ge [sflag:s20], $0x1400  }
0x3f: {  	[sflag:s20] =	ssyncset.done $0x0  }
0x40: {  	s11 =	simm.s32 $0x13948;
	[sflag:s20] =	ssyncadd.s32 $0xFFFFEC00  }
0x41: {  	[tilespmem:s19], [sflag:$0x2] =	stream.indirect.gather [spmem:s2], $0x80, s11, s18, $0xb8;
	[tilespmem:$0x1C400] =	vst v63  }
0x42: {  	_ =	swait.ge [sflag:s22], $0x1400  }
0x43: {  	[sflag:s22] =	ssyncset.done $0x0  }
0x44: {  	s12 =	sadd.s32 $0xFFFFFD80, s14;
	[sflag:s22] =	ssyncadd.s32 $0xFFFFEC00  }
0x45: {  	[hbm4b:s12+s3] =	stream.linear.scatter [tilespmem:s23], [sflag:$0x9], $0x1400, $0x38;
	[tilespmem:$0x1C400] =	vst v63  }
0x46: {  	_ =	swait.ge [sflag:s24], $0x1400  }
0x47: {  	[sflag:s24] =	ssyncset.done $0x0  }
0x48: {  	s10 =	simm.s32 $0x13970;
	[sflag:s24] =	ssyncadd.s32 $0xFFFFEC00  }
0x49: {  	[tilespmem:s21], [sflag:$0x3] =	stream.indirect.gather [spmem:s2], $0x80, s10, s18, $0xb8;
	[tilespmem:$0x1C400] =	vst v63  }
0x4a: {  	_ =	swait.ge [sflag:s29], $0x1400  }
0x4b: {  	[sflag:s29] =	ssyncset.done $0x0  }
0x4c: {  	[sflag:s29] =	ssyncadd.s32 $0xFFFFEC00  }
0x4d: {  	[hbm4b:s14+s3] =	stream.linear.scatter [tilespmem:s26], [sflag:$0xA], $0x1400, $0x38;
	[tilespmem:$0x1C400] =	vst v63  }
0x4e: {  	_ =	swait.ge [sflag:s4], $0x1400  }
0x4f: {  	[sflag:s4] =	ssyncset.done $0x0  }
0x50: {  	s11 =	simm.s32 $0x13998;
	[sflag:s4] =	ssyncadd.s32 $0xFFFFEC00  }
0x51: {  	[tilespmem:s23], [sflag:$0x4] =	stream.indirect.gather [spmem:s2], $0x80, s11, s18, $0xb8;
	[tilespmem:$0x1C400] =	vst v63  }
0x52: {  	_ =	swait.ge [sflag:s5], $0x1400  }
0x53: {  	[sflag:s5] =	ssyncset.done $0x0  }
0x54: {  	s12 =	sadd.s32 $0x280, s14;
	[sflag:s5] =	ssyncadd.s32 $0xFFFFEC00  }
0x55: {  	[hbm4b:s12+s3] =	stream.linear.scatter [tilespmem:s30], [sflag:$0xB], $0x1400, $0x38;
	[tilespmem:$0x1C400] =	vst v63  }
0x56: {  	_ =	swait.ge [sflag:s6], $0x1400  }
0x57: {  	[sflag:s6] =	ssyncset.done $0x0  }
0x58: {  	s10 =	simm.s32 $0x139C0;
	[sflag:s6] =	ssyncadd.s32 $0xFFFFEC00  }
0x59: {  	[tilespmem:s26], [sflag:$0x5] =	stream.indirect.gather [spmem:s2], $0x80, s10, s18, $0xb8;
	[tilespmem:$0x1C400] =	vst v63  }
0x5a: {  	_ =	swait.ge [sflag:s28], $0x1400  }
0x5b: {  	[sflag:s28] =	ssyncset.done $0x0  }
0x5c: {  	s11 =	sadd.s32 $0x500, s14;
	[sflag:s28] =	ssyncadd.s32 $0xFFFFEC00  }
0x5d: {  	[hbm4b:s11+s3] =	stream.linear.scatter [tilespmem:s19], [sflag:$0x7], $0x1400, $0x38;
	[tilespmem:$0x1C400] =	vst v63  }
0x5e: {  	_ =	swait.ge [sflag:s7], $0x1400  }
0x5f: {  	[sflag:s7] =	ssyncset.done $0x0  }
0x60: {  	s12 =	simm.s32 $0x139E8;
	[sflag:s7] =	ssyncadd.s32 $0xFFFFEC00  }
0x61: {  	[tilespmem:s30], [sflag:$0x6] =	stream.indirect.gather [spmem:s2], $0x80, s12, s18, $0xb8;
	[tilespmem:$0x1C400] =	vst v63  }
0x62: {  	_ =	swait.ge [sflag:s31], $0x1400  }
0x63: {  	s9 =	simm.s32 $0x320;
	[sflag:s31] =	ssyncset.done $0x0  }
0x64: {  	s10 =	sadd.s32 $0xC80, s14;
	s11 =	sadd.s32 $0x780, s14;
	[sflag:s31] =	ssyncadd.s32 $0xFFFFEC00  }
.LBB2_2:
0x65: {  	[hbm4b:s11+s3] =	stream.linear.scatter [tilespmem:s21], [sflag:$0x8], $0x1400, $0x38;
	[tilespmem:$0x1C400] =	vst v63  }
0x66: {  	s11 =	smov.u32 s9  }
0x67: {  	p1 =	sne.s32 s9, $0x9600;
	s9 =	sadd.s32 $0x320, s9;
	_ =	swait.ge [sflag:s20], $0x1400  }
0x68: {  	s11 =	sshra.s32 s11, $0x2;
	[sflag:s20] =	ssyncset.done $0x0  }
0x69: {  	s12 =	sadd.s32 $0x13948, s11;
	[sflag:s20] =	ssyncadd.s32 $0xFFFFEC00  }
0x6a: {  	[tilespmem:s19], [sflag:$0x2] =	stream.indirect.gather [spmem:s2], $0x80, s12, s18, $0xb8;
	[tilespmem:$0x1C400] =	vst v63  }
0x6b: {  	_ =	swait.ge [sflag:s22], $0x1400  }
0x6c: {  	[sflag:s22] =	ssyncset.done $0x0  }
0x6d: {  	s12 =	sadd.s32 $0xFFFFFD80, s10;
	[sflag:s22] =	ssyncadd.s32 $0xFFFFEC00  }
0x6e: {  	[hbm4b:s12+s3] =	stream.linear.scatter [tilespmem:s23], [sflag:$0x9], $0x1400, $0x38;
	[tilespmem:$0x1C400] =	vst v63  }
0x6f: {  	_ =	swait.ge [sflag:s24], $0x1400  }
0x70: {  	[sflag:s24] =	ssyncset.done $0x0  }
0x71: {  	s12 =	sadd.s32 $0x13970, s11;
	[sflag:s24] =	ssyncadd.s32 $0xFFFFEC00  }
0x72: {  	[tilespmem:s21], [sflag:$0x3] =	stream.indirect.gather [spmem:s2], $0x80, s12, s18, $0xb8;
	[tilespmem:$0x1C400] =	vst v63  }
0x73: {  	_ =	swait.ge [sflag:s29], $0x1400  }
0x74: {  	[sflag:s29] =	ssyncset.done $0x0  }
0x75: {  	[sflag:s29] =	ssyncadd.s32 $0xFFFFEC00  }
0x76: {  	[hbm4b:s10+s3] =	stream.linear.scatter [tilespmem:s26], [sflag:$0xA], $0x1400, $0x38;
	[tilespmem:$0x1C400] =	vst v63  }
0x77: {  	_ =	swait.ge [sflag:s4], $0x1400  }
0x78: {  	[sflag:s4] =	ssyncset.done $0x0  }
0x79: {  	s12 =	sadd.s32 $0x13998, s11;
	[sflag:s4] =	ssyncadd.s32 $0xFFFFEC00  }
0x7a: {  	[tilespmem:s23], [sflag:$0x4] =	stream.indirect.gather [spmem:s2], $0x80, s12, s18, $0xb8;
	[tilespmem:$0x1C400] =	vst v63  }
0x7b: {  	_ =	swait.ge [sflag:s5], $0x1400  }
0x7c: {  	[sflag:s5] =	ssyncset.done $0x0  }
0x7d: {  	s12 =	sadd.s32 $0x280, s10;
	[sflag:s5] =	ssyncadd.s32 $0xFFFFEC00  }
0x7e: {  	[hbm4b:s12+s3] =	stream.linear.scatter [tilespmem:s30], [sflag:$0xB], $0x1400, $0x38;
	[tilespmem:$0x1C400] =	vst v63  }
0x7f: {  	_ =	swait.ge [sflag:s6], $0x1400  }
0x80: {  	[sflag:s6] =	ssyncset.done $0x0  }
0x81: {  	s12 =	sadd.s32 $0x139C0, s11;
	[sflag:s6] =	ssyncadd.s32 $0xFFFFEC00  }
0x82: {  	[tilespmem:s26], [sflag:$0x5] =	stream.indirect.gather [spmem:s2], $0x80, s12, s18, $0xb8;
	[tilespmem:$0x1C400] =	vst v63  }
0x83: {  	_ =	swait.ge [sflag:s28], $0x1400  }
0x84: {  	[sflag:s28] =	ssyncset.done $0x0  }
0x85: {  	s12 =	sadd.s32 $0x500, s10;
	[sflag:s28] =	ssyncadd.s32 $0xFFFFEC00  }
0x86: {  	[hbm4b:s12+s3] =	stream.linear.scatter [tilespmem:s19], [sflag:$0x7], $0x1400, $0x38;
	[tilespmem:$0x1C400] =	vst v63  }
0x87: {  	_ =	swait.ge [sflag:s7], $0x1400  }
0x88: {  	[sflag:s7] =	ssyncset.done $0x0  }
.Ltmp0:
0x89: {  	s11 =	sadd.s32 $0x139E8, s11;
	[sflag:s7] =	ssyncadd.s32 $0xFFFFEC00;
	(pc) =	sbr.rel @p1 .LBB2_2-.Ltmp0, $4  }
0x8a: {  	[tilespmem:s30], [sflag:$0x6] =	stream.indirect.gather [spmem:s2], $0x80, s11, s18, $0xb8;
	[tilespmem:$0x1C400] =	vst v63  }
0x8b: {  	_ =	swait.ge [sflag:s31], $0x1400  }
0x8c: {  	[sflag:s31] =	ssyncset.done $0x0  }
0x8d: {  	s11 =	sadd.s32 $0x780, s10;
	s10 =	sadd.s32 $0xC80, s10;
	[sflag:s31] =	ssyncadd.s32 $0xFFFFEC00  }
0x8e: {  	[hbm4b:s11+s3] =	stream.linear.scatter [tilespmem:s21], [sflag:$0x8], $0x1400, $0x38;
	[tilespmem:$0x1C400] =	vst v63  }
0x8f: {  	_ =	swait.ge [sflag:s22], $0x1400  }
0x90: {  	[sflag:s22] =	ssyncset.done $0x0  }
0x91: {  	s9 =	rddreg [dreg:$0xb];
	[sflag:s22] =	ssyncadd.s32 $0xFFFFEC00  }
0x92: {  	[hbm4b:s9+s3] =	stream.linear.scatter [tilespmem:s23], [sflag:$0x9], $0x1400, $0x38;
	[tilespmem:$0x1C400] =	vst v63  }
0x93: {  	_ =	swait.ge [sflag:s29], $0x1400  }
0x94: {  	[sflag:s29] =	ssyncset.done $0x0  }
0x95: {  	s11 =	rddreg [dreg:$0xc];
	[sflag:s29] =	ssyncadd.s32 $0xFFFFEC00  }
0x96: {  	[hbm4b:s11+s3] =	stream.linear.scatter [tilespmem:s26], [sflag:$0xA], $0x1400, $0x38;
	[tilespmem:$0x1C400] =	vst v63  }
0x97: {  	_ =	swait.ge [sflag:s5], $0x1400  }
0x98: {  	[sflag:s5] =	ssyncset.done $0x0  }
0x99: {  	s12 =	rddreg [dreg:$0xd];
	[sflag:s5] =	ssyncadd.s32 $0xFFFFEC00  }
0x9a: {  	[hbm4b:s12+s3] =	stream.linear.scatter [tilespmem:s30], [sflag:$0xB], $0x1400, $0x38;
	[tilespmem:$0x1C400] =	vst v63  }
0x9b: {  	_ =	swait.ge [sflag:s20], $0x1400  }
0x9c: {  	[sflag:s20] =	ssyncset.done $0x0  }
0x9d: {  	[sflag:s20] =	ssyncadd.s32 $0xFFFFEC00  }
0x9e: {  	_ =	swait.ge [sflag:s24], $0x1400  }
0x9f: {  	[sflag:s24] =	ssyncset.done $0x0  }
0xa0: {  	[sflag:s24] =	ssyncadd.s32 $0xFFFFEC00  }
0xa1: {  	_ =	swait.ge [sflag:s4], $0x1400  }
0xa2: {  	[sflag:s4] =	ssyncset.done $0x0  }
0xa3: {  	s8 =	sadd.s32 $0x1, s8;
	[sflag:s4] =	ssyncadd.s32 $0xFFFFEC00  }
0xa4: {  	p1 =	sne.s32 s8, s13;
	_ =	swait.ge [sflag:s6], $0x1400  }
.Ltmp1:
0xa5: {  	[sflag:s6] =	ssyncset.done $0x0;
	(pc) =	sbr.rel @p1 .LBB2_1-.Ltmp1, $4  }
0xa6: {  	[sflag:s6] =	ssyncadd.s32 $0xFFFFEC00  }
0xa7: {  	_ =	swait.ge [sflag:s7], $0x1400  }
0xa8: {  	[sflag:s7] =	ssyncset.done $0x0  }
0xa9: {  	[sflag:s7] =	ssyncadd.s32 $0xFFFFEC00  }
0xaa: {  	_ =	sfence.sel $0x180000  }
0xab: {  	[bflag:$0x0] =	sbarrier.arrive $0xFFFF  }
0xac: {  	_ =	strace $0x90000047  }
0xad: {  	[bflag:$0x2] =	sbarrier.arrive $0xFFFF  }
0xae: {  	s0 =	rddreg [dreg:$0x4]  }
0xaf: {  	s0 =	sadd.s32 @!p0 $0x100000, s0  }
0xb0: {  	[sflag:s0] =	ssyncadd.tile.s32 @!p0 $0x1;
	_ =	shalt  }
.Lfunc_end2:
_tile_overlayer_lowered:
.L_overlay_start_2:
0xb1: {  	(tag) =	ssettag $0x2  }
0xb2: {  	s0 =	rddreg [dreg:$0x0];
	s2 =	stileid.u32  }
0xb3: {  	s1 =	rddreg [dreg:$0x1];
	p0 =	sne.s32 s2, $0x0  }
0xb4: {  	s3 =	rddreg [dreg:$0x2];
	[bflag:$0x3] =	sbarrier.arrive $0xFFFF;
	s2 =	simm.s32 @!p0 $0x1C0C  }
0xb5: {  	[timem:s3], [sflag:s2] =	dma.local @!p0 [hbm:s0], s1  }
0xb6: {  	s0 =	simm.s32 @!p0 $0xC  }
0xb7: {  	_ =	swait.ge @!p0 [sflag:s0], s1  }
0xb8: {  	s1 =	ssub.s32 @!p0 $0x0, s1;
	[sflag:s0] =	ssyncset.done @!p0 $0x0  }
0xb9: {  	[sflag:s0] =	ssyncadd.s32 @!p0 s1  }
0xba: {  	[bflag:$0x3] =	sbarrier.arrive $0xFFFF  }
0xbb: {  	_ =	shalt  }

</sc_bundles>
